<compile_context>
chip_gen: v7x
topology: tpu7x:2x2x1
jax: 0.10.2.dev20260603
libtpu: 0.0.44.dev20260713+nightly
codegen_flags: <defaults>
</compile_context>

<pallas_src>
import jax
import jax.numpy as jnp
from jax import lax
from jax.experimental import pallas as pl
from jax.experimental.pallas import tpu as pltpu
from jax.experimental.pallas import tpu_sc as plsc

_L = 100
_B = 16
_RPW = 4
_NW = 25

_NUM_CORES = 2
_NUM_SUBCORES = 16

_LOG16 = 2.772588722239781
_CHORD = _LOG16 / 15.0


def _allreduce(op, x, lane):
  for k in (1, 2, 4, 8):
    x = op(x, jnp.take(x, lane ^ k))
  return x


def _sc_body(alpha_ref, g_ref, arcs_ref, lp_ref, ent_ref,
             a_v, g_v, arcs_s, lp_s, ent_s, sem):
  wid = lax.axis_index("s") * _NUM_CORES + lax.axis_index("c")

  @pl.when(wid < _NW)
  def _():
    base = wid * _RPW
    in_a = pltpu.async_copy(alpha_ref.at[pl.ds(base, _RPW)], a_v, sem)
    in_g = pltpu.async_copy(g_ref.at[pl.ds(base, _RPW)], g_v, sem)
    in_a.wait()
    in_g.wait()

    lane = lax.iota(jnp.int32, _B)
    arcs_acc = jnp.zeros((_B,), jnp.int32)
    lp_acc = jnp.zeros((_B,), jnp.float32)
    ent_acc = jnp.zeros((_B,), jnp.float32)
    for j in range(_RPW):
      a = a_v[j]
      v = a + g_v[j]
      vmax = _allreduce(jnp.maximum, v, lane)
      idx = _allreduce(jnp.minimum, jnp.where(v == vmax, lane, _B), lane)
      am = a - _allreduce(jnp.maximum, a, lane)
      e = jnp.exp(am)
      s = _allreduce(jnp.add, e, lane)
      y = _CHORD * (s - 1.0)
      for _ in range(5):
        y = y + (s * jnp.exp(0.0 - y) - 1.0)
      logp = am - y
      lp = jnp.take(logp, idx)
      ent = 0.0 - _allreduce(jnp.add, (e / s) * logp, lane)
      at_j = lane == j
      arcs_acc = jnp.where(at_j, idx, arcs_acc)
      lp_acc = jnp.where(at_j, lp, lp_acc)
      ent_acc = jnp.where(at_j, ent, ent_acc)

    arcs_s[...] = arcs_acc
    lp_s[...] = lp_acc
    ent_s[...] = ent_acc
    out_a = pltpu.async_copy(arcs_s, arcs_ref.at[wid], sem)
    out_l = pltpu.async_copy(lp_s, lp_ref.at[wid], sem)
    out_e = pltpu.async_copy(ent_s, ent_ref.at[wid], sem)
    out_a.wait()
    out_l.wait()
    out_e.wait()


_sc_call = pl.kernel(
    _sc_body,
    out_type=(
        jax.ShapeDtypeStruct((_NW, _B), jnp.int32),
        jax.ShapeDtypeStruct((_NW, _B), jnp.float32),
        jax.ShapeDtypeStruct((_NW, _B), jnp.float32),
    ),
    mesh=plsc.VectorSubcoreMesh(core_axis_name="c", subcore_axis_name="s",
                                num_cores=_NUM_CORES,
                                num_subcores=_NUM_SUBCORES),
    scratch_types=[
        pltpu.VMEM((_RPW, _B), jnp.float32),
        pltpu.VMEM((_RPW, _B), jnp.float32),
        pltpu.VMEM((_B,), jnp.int32),
        pltpu.VMEM((_B,), jnp.float32),
        pltpu.VMEM((_B,), jnp.float32),
        pltpu.SemaphoreType.DMA,
    ],
)


def kernel(alpha):
  g = jax.random.gumbel(jax.random.key(42), (_L, _B), jnp.float32)
  arcs, lp, ent = _sc_call(alpha, g)
  arcs = arcs[:, :_RPW].reshape(_L)[None, :]
  lp = lp[:, :_RPW].reshape(_L)[None, :]
  ent = ent[:, :_RPW].reshape(_L)[None, :]
  return (arcs, lp, ent)

# --- scband reference (transcript-rebuilt; emitter-appended) ---
"""Pipeline reference for scband-controller-rlalpha-74560632259395 (READ-ONLY COPY).

The authoritative reference and input builder live on the scoring server;
editing this copy changes nothing except your own understanding.
"""

import jax, jax.numpy as jnp
import numpy as np

NUM_LAYERS = 100
NUM_BRANCHES = 16


def setup_inputs(seed: int = 0) -> dict:
    key = jax.random.key(seed)
    # Learned parameters: per-layer alpha logits, initialized as 1e-4 * randn(1, num_branches)
    # stacked into a single [num_layers, num_branches] array.
    alpha = 1e-4 * jax.random.normal(key, (NUM_LAYERS, NUM_BRANCHES), dtype=jnp.float32)
    return {"alpha": alpha}


def reference(alpha):
    # Faithful translation of ControllerRLAlpha.forward():
    # per layer: Categorical(logits=alpha[l]).sample(), log_prob, entropy;
    # concatenated across layers. Categorical sampling is implemented with the
    # Gumbel-max trick (exact categorical sampling).
    sample_key = jax.random.key(42)
    g = jax.random.gumbel(sample_key, alpha.shape, dtype=alpha.dtype)
    sampled = jnp.argmax(alpha + g, axis=-1)  # [L] int, one op id per layer

    logp_all = jax.nn.log_softmax(alpha, axis=-1)  # [L, B]
    log_prob = jnp.take_along_axis(logp_all, sampled[:, None], axis=-1)[:, 0]  # [L]
    probs = jnp.exp(logp_all)
    entropy = -jnp.sum(probs * logp_all, axis=-1)  # [L]

    sampled_arcs = sampled[None, :].astype(jnp.int32)   # [1, num_layers]
    sample_log_prob = log_prob[None, :]                  # [1, num_layers]
    sample_entropy = entropy[None, :]                    # [1, num_layers]
    # torch forward returns sampled_arcs and stores log_prob/entropy as attributes;
    # we return all three so downstream REINFORCE quantities are available.
    return (sampled_arcs, sample_log_prob, sample_entropy)

if __name__ == "__main__":
    import jax
    _d = setup_inputs()
    print(jax.jit(kernel)(*tuple(_d.values())))

</pallas_src>

<mosaic_0001>
#map = affine_map<(d0, d1) -> (0, 0)>
module attributes {stable_mosaic.version = 14 : i64} {
  func.func @_sc_body(%arg0: i32, %arg1: i32, %arg2: memref<100x16xf32, #tpu.memory_space<hbm>>, %arg3: memref<100x16xf32, #tpu.memory_space<hbm>>, %arg4: memref<25x16xi32, #tpu.memory_space<hbm>>, %arg5: memref<25x16xf32, #tpu.memory_space<hbm>>, %arg6: memref<25x16xf32, #tpu.memory_space<hbm>>, %arg7: memref<4x16xf32, #tpu.memory_space<vmem>>, %arg8: memref<4x16xf32, #tpu.memory_space<vmem>>, %arg9: memref<16xi32, #tpu.memory_space<vmem>>, %arg10: memref<16xf32, #tpu.memory_space<vmem>>, %arg11: memref<16xf32, #tpu.memory_space<vmem>>, %arg12: memref<!tpu.dma_semaphore, #tpu.memory_space<semaphore_mem>>) attributes {dimension_semantics = [#tpu.dimension_semantics<core_parallel>, #tpu.dimension_semantics<subcore_parallel>], iteration_bounds = array<i64: 2, 16>, scalar_prefetch = 0 : i64, scratch_operands = 6 : i64, tpu.core_type = #tpu.core_type<sc_vector_subcore>, window_params = [{transform_indices = #map}, {transform_indices = #map}, {transform_indices = #map}, {transform_indices = #map}, {transform_indices = #map}]} {
    %mul3A = arith.constant 2 : i32
    %mul3A_0 = arith.muli %arg1, %mul3A : i32
    %add3A = arith.addi %mul3A_0, %arg0 : i32
    %lt3A = arith.constant 25 : i32
    %lt3A_1 = arith.cmpi slt, %add3A, %lt3A : i32
    %convert_element_type3A = arith.extui %lt3A_1 : i1 to i32
    %cond3A = arith.constant 0 : i32
    %cond3A_2 = arith.cmpi ne, %convert_element_type3A, %cond3A : i32
    scf.if %cond3A_2 {
      %mul3A_3 = arith.constant 4 : i32
      %mul3A_4 = arith.muli %add3A, %mul3A_3 : i32
      %dma_start3A = arith.constant 0 : i32
      %dma_start3A_5 = tpu.memref_slice %arg2[%mul3A_4, %dma_start3A] : memref<100x16xf32, #tpu.memory_space<hbm>> -> memref<4x16xf32, #tpu.memory_space<hbm>>
      %dma_start3A_6 = arith.constant 0 : i32
      %dma_start3A_7 = tpu.memref_slice %arg2[%mul3A_4, %dma_start3A_6] : memref<100x16xf32, #tpu.memory_space<hbm>> -> memref<4x16xf32, #tpu.memory_space<hbm>>
      tpu.enqueue_dma source(%dma_start3A_7 : memref<4x16xf32, #tpu.memory_space<hbm>>) target(%arg7 : memref<4x16xf32, #tpu.memory_space<vmem>>) target_semaphore(%arg12 : memref<!tpu.dma_semaphore, #tpu.memory_space<semaphore_mem>>)
      %dma_start3A_8 = arith.constant 0 : i32
      %dma_start3A_9 = tpu.memref_slice %arg3[%mul3A_4, %dma_start3A_8] : memref<100x16xf32, #tpu.memory_space<hbm>> -> memref<4x16xf32, #tpu.memory_space<hbm>>
      %dma_start3A_10 = arith.constant 0 : i32
      %dma_start3A_11 = tpu.memref_slice %arg3[%mul3A_4, %dma_start3A_10] : memref<100x16xf32, #tpu.memory_space<hbm>> -> memref<4x16xf32, #tpu.memory_space<hbm>>
      tpu.enqueue_dma source(%dma_start3A_11 : memref<4x16xf32, #tpu.memory_space<hbm>>) target(%arg8 : memref<4x16xf32, #tpu.memory_space<vmem>>) target_semaphore(%arg12 : memref<!tpu.dma_semaphore, #tpu.memory_space<semaphore_mem>>)
      %dma_wait3A = arith.constant 0 : i32
      %dma_wait3A_12 = tpu.memref_slice %arg2[%mul3A_4, %dma_wait3A] : memref<100x16xf32, #tpu.memory_space<hbm>> -> memref<4x16xf32, #tpu.memory_space<hbm>>
      %dma_wait3A_13 = arith.constant 0 : i32
      %dma_wait3A_14 = tpu.memref_slice %arg2[%mul3A_4, %dma_wait3A_13] : memref<100x16xf32, #tpu.memory_space<hbm>> -> memref<4x16xf32, #tpu.memory_space<hbm>>
      tpu.wait_dma2 semaphore(%arg12 : memref<!tpu.dma_semaphore, #tpu.memory_space<semaphore_mem>>) src(%dma_wait3A_14 : memref<4x16xf32, #tpu.memory_space<hbm>>) dst(%arg7 : memref<4x16xf32, #tpu.memory_space<vmem>>)
      %dma_wait3A_15 = arith.constant 0 : i32
      %dma_wait3A_16 = tpu.memref_slice %arg3[%mul3A_4, %dma_wait3A_15] : memref<100x16xf32, #tpu.memory_space<hbm>> -> memref<4x16xf32, #tpu.memory_space<hbm>>
      %dma_wait3A_17 = arith.constant 0 : i32
      %dma_wait3A_18 = tpu.memref_slice %arg3[%mul3A_4, %dma_wait3A_17] : memref<100x16xf32, #tpu.memory_space<hbm>> -> memref<4x16xf32, #tpu.memory_space<hbm>>
      tpu.wait_dma2 semaphore(%arg12 : memref<!tpu.dma_semaphore, #tpu.memory_space<semaphore_mem>>) src(%dma_wait3A_18 : memref<4x16xf32, #tpu.memory_space<hbm>>) dst(%arg8 : memref<4x16xf32, #tpu.memory_space<vmem>>)
      %iota3A = tpu.iota {dimensions = array<i32: 0>} : vector<16xi32>
      %broadcast_in_dim3A = arith.constant 0 : i32
      %broadcast_in_dim3A_19 = vector.broadcast %broadcast_in_dim3A : i32 to vector<16xi32>
      %broadcast_in_dim3A_20 = arith.constant 0.000000e+00 : f32
      %broadcast_in_dim3A_21 = vector.broadcast %broadcast_in_dim3A_20 : f32 to vector<16xf32>
      %broadcast_in_dim3A_22 = arith.constant 0.000000e+00 : f32
      %broadcast_in_dim3A_23 = vector.broadcast %broadcast_in_dim3A_22 : f32 to vector<16xf32>
      %get3A = arith.constant 0 : i32
      %get3A_24 = arith.index_cast %get3A : i32 to index
      %get3A_25 = arith.constant 0 : index
      %get3A_26 = tpu.vector_load %arg7[%get3A_24, %get3A_25] {strides = array<i32>} : memref<4x16xf32, #tpu.memory_space<vmem>>, vector<1x16xf32>,
      %get3A_27 = vector.shape_cast %get3A_26 : vector<1x16xf32> to vector<16xf32>
      %get3A_28 = arith.constant 0 : i32
      %get3A_29 = arith.index_cast %get3A_28 : i32 to index
      %get3A_30 = arith.constant 0 : index
      %get3A_31 = tpu.vector_load %arg8[%get3A_29, %get3A_30] {strides = array<i32>} : memref<4x16xf32, #tpu.memory_space<vmem>>, vector<1x16xf32>,
      %get3A_32 = vector.shape_cast %get3A_31 : vector<1x16xf32> to vector<16xf32>
      %add3A_33 = arith.addf %get3A_27, %get3A_32 : vector<16xf32>
      %xor3A = arith.constant 1 : i32
      %xor3A_34 = vector.broadcast %xor3A : i32 to vector<16xi32>
      %xor3A_35 = arith.xori %iota3A, %xor3A_34 : vector<16xi32>
      %lt3A_36 = arith.constant 0 : i32
      %lt3A_37 = vector.broadcast %lt3A_36 : i32 to vector<16xi32>
      %lt3A_38 = arith.cmpi slt, %xor3A_35, %lt3A_37 : vector<16xi32>
      %add3A_39 = arith.constant 16 : i32
      %add3A_40 = vector.broadcast %add3A_39 : i32 to vector<16xi32>
      %add3A_41 = arith.addi %xor3A_35, %add3A_40 : vector<16xi32>
      %select_n3A = arith.select %lt3A_38, %add3A_41, %xor3A_35 : vector<16xi1>, vector<16xi32>
      %broadcast_in_dim3A_42 = vector.shape_cast %select_n3A : vector<16xi32> to vector<16x1xi32>
      %gather3A = vector.shape_cast %broadcast_in_dim3A_42 : vector<16x1xi32> to vector<16xi32>
      %gather3A_43 = tpu.dynamic_gather %add3A_33[%gather3A] in [0] : vector<16xf32>, vector<16xi32> -> vector<16xf32>
      %max3A = arith.maximumf %add3A_33, %gather3A_43 : vector<16xf32>
      %xor3A_44 = arith.constant 2 : i32
      %xor3A_45 = vector.broadcast %xor3A_44 : i32 to vector<16xi32>
      %xor3A_46 = arith.xori %iota3A, %xor3A_45 : vector<16xi32>
      %lt3A_47 = arith.constant 0 : i32
      %lt3A_48 = vector.broadcast %lt3A_47 : i32 to vector<16xi32>
      %lt3A_49 = arith.cmpi slt, %xor3A_46, %lt3A_48 : vector<16xi32>
      %add3A_50 = arith.constant 16 : i32
      %add3A_51 = vector.broadcast %add3A_50 : i32 to vector<16xi32>
      %add3A_52 = arith.addi %xor3A_46, %add3A_51 : vector<16xi32>
      %select_n3A_53 = arith.select %lt3A_49, %add3A_52, %xor3A_46 : vector<16xi1>, vector<16xi32>
      %broadcast_in_dim3A_54 = vector.shape_cast %select_n3A_53 : vector<16xi32> to vector<16x1xi32>
      %gather3A_55 = vector.shape_cast %broadcast_in_dim3A_54 : vector<16x1xi32> to vector<16xi32>
      %gather3A_56 = tpu.dynamic_gather %max3A[%gather3A_55] in [0] : vector<16xf32>, vector<16xi32> -> vector<16xf32>
      %max3A_57 = arith.maximumf %max3A, %gather3A_56 : vector<16xf32>
      %xor3A_58 = arith.constant 4 : i32
      %xor3A_59 = vector.broadcast %xor3A_58 : i32 to vector<16xi32>
      %xor3A_60 = arith.xori %iota3A, %xor3A_59 : vector<16xi32>
      %lt3A_61 = arith.constant 0 : i32
      %lt3A_62 = vector.broadcast %lt3A_61 : i32 to vector<16xi32>
      %lt3A_63 = arith.cmpi slt, %xor3A_60, %lt3A_62 : vector<16xi32>
      %add3A_64 = arith.constant 16 : i32
      %add3A_65 = vector.broadcast %add3A_64 : i32 to vector<16xi32>
      %add3A_66 = arith.addi %xor3A_60, %add3A_65 : vector<16xi32>
      %select_n3A_67 = arith.select %lt3A_63, %add3A_66, %xor3A_60 : vector<16xi1>, vector<16xi32>
      %broadcast_in_dim3A_68 = vector.shape_cast %select_n3A_67 : vector<16xi32> to vector<16x1xi32>
      %gather3A_69 = vector.shape_cast %broadcast_in_dim3A_68 : vector<16x1xi32> to vector<16xi32>
      %gather3A_70 = tpu.dynamic_gather %max3A_57[%gather3A_69] in [0] : vector<16xf32>, vector<16xi32> -> vector<16xf32>
      %max3A_71 = arith.maximumf %max3A_57, %gather3A_70 : vector<16xf32>
      %xor3A_72 = arith.constant 8 : i32
      %xor3A_73 = vector.broadcast %xor3A_72 : i32 to vector<16xi32>
      %xor3A_74 = arith.xori %iota3A, %xor3A_73 : vector<16xi32>
      %lt3A_75 = arith.constant 0 : i32
      %lt3A_76 = vector.broadcast %lt3A_75 : i32 to vector<16xi32>
      %lt3A_77 = arith.cmpi slt, %xor3A_74, %lt3A_76 : vector<16xi32>
      %add3A_78 = arith.constant 16 : i32
      %add3A_79 = vector.broadcast %add3A_78 : i32 to vector<16xi32>
      %add3A_80 = arith.addi %xor3A_74, %add3A_79 : vector<16xi32>
      %select_n3A_81 = arith.select %lt3A_77, %add3A_80, %xor3A_74 : vector<16xi1>, vector<16xi32>
      %broadcast_in_dim3A_82 = vector.shape_cast %select_n3A_81 : vector<16xi32> to vector<16x1xi32>
      %gather3A_83 = vector.shape_cast %broadcast_in_dim3A_82 : vector<16x1xi32> to vector<16xi32>
      %gather3A_84 = tpu.dynamic_gather %max3A_71[%gather3A_83] in [0] : vector<16xf32>, vector<16xi32> -> vector<16xf32>
      %max3A_85 = arith.maximumf %max3A_71, %gather3A_84 : vector<16xf32>
      %eq3A = arith.cmpf oeq, %add3A_33, %max3A_85 : vector<16xf32>
      %jit3A = arith.constant 16 : i32
      %broadcast_in_dim3A_86 = vector.broadcast %jit3A : i32 to vector<16xi32>
      %select_n3A_87 = arith.select %eq3A, %iota3A, %broadcast_in_dim3A_86 : vector<16xi1>, vector<16xi32>
      %xor3A_88 = arith.constant 1 : i32
      %xor3A_89 = vector.broadcast %xor3A_88 : i32 to vector<16xi32>
      %xor3A_90 = arith.xori %iota3A, %xor3A_89 : vector<16xi32>
      %lt3A_91 = arith.constant 0 : i32
      %lt3A_92 = vector.broadcast %lt3A_91 : i32 to vector<16xi32>
      %lt3A_93 = arith.cmpi slt, %xor3A_90, %lt3A_92 : vector<16xi32>
      %add3A_94 = arith.constant 16 : i32
      %add3A_95 = vector.broadcast %add3A_94 : i32 to vector<16xi32>
      %add3A_96 = arith.addi %xor3A_90, %add3A_95 : vector<16xi32>
      %select_n3A_97 = arith.select %lt3A_93, %add3A_96, %xor3A_90 : vector<16xi1>, vector<16xi32>
      %broadcast_in_dim3A_98 = vector.shape_cast %select_n3A_97 : vector<16xi32> to vector<16x1xi32>
      %gather3A_99 = vector.shape_cast %broadcast_in_dim3A_98 : vector<16x1xi32> to vector<16xi32>
      %gather3A_100 = tpu.dynamic_gather %select_n3A_87[%gather3A_99] in [0] : vector<16xi32>, vector<16xi32> -> vector<16xi32>
      %min3A = arith.minsi %select_n3A_87, %gather3A_100 : vector<16xi32>
      %xor3A_101 = arith.constant 2 : i32
      %xor3A_102 = vector.broadcast %xor3A_101 : i32 to vector<16xi32>
      %xor3A_103 = arith.xori %iota3A, %xor3A_102 : vector<16xi32>
      %lt3A_104 = arith.constant 0 : i32
      %lt3A_105 = vector.broadcast %lt3A_104 : i32 to vector<16xi32>
      %lt3A_106 = arith.cmpi slt, %xor3A_103, %lt3A_105 : vector<16xi32>
      %add3A_107 = arith.constant 16 : i32
      %add3A_108 = vector.broadcast %add3A_107 : i32 to vector<16xi32>
      %add3A_109 = arith.addi %xor3A_103, %add3A_108 : vector<16xi32>
      %select_n3A_110 = arith.select %lt3A_106, %add3A_109, %xor3A_103 : vector<16xi1>, vector<16xi32>
      %broadcast_in_dim3A_111 = vector.shape_cast %select_n3A_110 : vector<16xi32> to vector<16x1xi32>
      %gather3A_112 = vector.shape_cast %broadcast_in_dim3A_111 : vector<16x1xi32> to vector<16xi32>
      %gather3A_113 = tpu.dynamic_gather %min3A[%gather3A_112] in [0] : vector<16xi32>, vector<16xi32> -> vector<16xi32>
      %min3A_114 = arith.minsi %min3A, %gather3A_113 : vector<16xi32>
      %xor3A_115 = arith.constant 4 : i32
      %xor3A_116 = vector.broadcast %xor3A_115 : i32 to vector<16xi32>
      %xor3A_117 = arith.xori %iota3A, %xor3A_116 : vector<16xi32>
      %lt3A_118 = arith.constant 0 : i32
      %lt3A_119 = vector.broadcast %lt3A_118 : i32 to vector<16xi32>
      %lt3A_120 = arith.cmpi slt, %xor3A_117, %lt3A_119 : vector<16xi32>
      %add3A_121 = arith.constant 16 : i32
      %add3A_122 = vector.broadcast %add3A_121 : i32 to vector<16xi32>
      %add3A_123 = arith.addi %xor3A_117, %add3A_122 : vector<16xi32>
      %select_n3A_124 = arith.select %lt3A_120, %add3A_123, %xor3A_117 : vector<16xi1>, vector<16xi32>
      %broadcast_in_dim3A_125 = vector.shape_cast %select_n3A_124 : vector<16xi32> to vector<16x1xi32>
      %gather3A_126 = vector.shape_cast %broadcast_in_dim3A_125 : vector<16x1xi32> to vector<16xi32>
      %gather3A_127 = tpu.dynamic_gather %min3A_114[%gather3A_126] in [0] : vector<16xi32>, vector<16xi32> -> vector<16xi32>
      %min3A_128 = arith.minsi %min3A_114, %gather3A_127 : vector<16xi32>
      %xor3A_129 = arith.constant 8 : i32
      %xor3A_130 = vector.broadcast %xor3A_129 : i32 to vector<16xi32>
      %xor3A_131 = arith.xori %iota3A, %xor3A_130 : vector<16xi32>
      %lt3A_132 = arith.constant 0 : i32
      %lt3A_133 = vector.broadcast %lt3A_132 : i32 to vector<16xi32>
      %lt3A_134 = arith.cmpi slt, %xor3A_131, %lt3A_133 : vector<16xi32>
      %add3A_135 = arith.constant 16 : i32
      %add3A_136 = vector.broadcast %add3A_135 : i32 to vector<16xi32>
      %add3A_137 = arith.addi %xor3A_131, %add3A_136 : vector<16xi32>
      %select_n3A_138 = arith.select %lt3A_134, %add3A_137, %xor3A_131 : vector<16xi1>, vector<16xi32>
      %broadcast_in_dim3A_139 = vector.shape_cast %select_n3A_138 : vector<16xi32> to vector<16x1xi32>
      %gather3A_140 = vector.shape_cast %broadcast_in_dim3A_139 : vector<16x1xi32> to vector<16xi32>
      %gather3A_141 = tpu.dynamic_gather %min3A_128[%gather3A_140] in [0] : vector<16xi32>, vector<16xi32> -> vector<16xi32>
      %min3A_142 = arith.minsi %min3A_128, %gather3A_141 : vector<16xi32>
      %xor3A_143 = arith.constant 1 : i32
      %xor3A_144 = vector.broadcast %xor3A_143 : i32 to vector<16xi32>
      %xor3A_145 = arith.xori %iota3A, %xor3A_144 : vector<16xi32>
      %lt3A_146 = arith.constant 0 : i32
      %lt3A_147 = vector.broadcast %lt3A_146 : i32 to vector<16xi32>
      %lt3A_148 = arith.cmpi slt, %xor3A_145, %lt3A_147 : vector<16xi32>
      %add3A_149 = arith.constant 16 : i32
      %add3A_150 = vector.broadcast %add3A_149 : i32 to vector<16xi32>
      %add3A_151 = arith.addi %xor3A_145, %add3A_150 : vector<16xi32>
      %select_n3A_152 = arith.select %lt3A_148, %add3A_151, %xor3A_145 : vector<16xi1>, vector<16xi32>
      %broadcast_in_dim3A_153 = vector.shape_cast %select_n3A_152 : vector<16xi32> to vector<16x1xi32>
      %gather3A_154 = vector.shape_cast %broadcast_in_dim3A_153 : vector<16x1xi32> to vector<16xi32>
      %gather3A_155 = tpu.dynamic_gather %get3A_27[%gather3A_154] in [0] : vector<16xf32>, vector<16xi32> -> vector<16xf32>
      %max3A_156 = arith.maximumf %get3A_27, %gather3A_155 : vector<16xf32>
      %xor3A_157 = arith.constant 2 : i32
      %xor3A_158 = vector.broadcast %xor3A_157 : i32 to vector<16xi32>
      %xor3A_159 = arith.xori %iota3A, %xor3A_158 : vector<16xi32>
      %lt3A_160 = arith.constant 0 : i32
      %lt3A_161 = vector.broadcast %lt3A_160 : i32 to vector<16xi32>
      %lt3A_162 = arith.cmpi slt, %xor3A_159, %lt3A_161 : vector<16xi32>
      %add3A_163 = arith.constant 16 : i32
      %add3A_164 = vector.broadcast %add3A_163 : i32 to vector<16xi32>
      %add3A_165 = arith.addi %xor3A_159, %add3A_164 : vector<16xi32>
      %select_n3A_166 = arith.select %lt3A_162, %add3A_165, %xor3A_159 : vector<16xi1>, vector<16xi32>
      %broadcast_in_dim3A_167 = vector.shape_cast %select_n3A_166 : vector<16xi32> to vector<16x1xi32>
      %gather3A_168 = vector.shape_cast %broadcast_in_dim3A_167 : vector<16x1xi32> to vector<16xi32>
      %gather3A_169 = tpu.dynamic_gather %max3A_156[%gather3A_168] in [0] : vector<16xf32>, vector<16xi32> -> vector<16xf32>
      %max3A_170 = arith.maximumf %max3A_156, %gather3A_169 : vector<16xf32>
      %xor3A_171 = arith.constant 4 : i32
      %xor3A_172 = vector.broadcast %xor3A_171 : i32 to vector<16xi32>
      %xor3A_173 = arith.xori %iota3A, %xor3A_172 : vector<16xi32>
      %lt3A_174 = arith.constant 0 : i32
      %lt3A_175 = vector.broadcast %lt3A_174 : i32 to vector<16xi32>
      %lt3A_176 = arith.cmpi slt, %xor3A_173, %lt3A_175 : vector<16xi32>
      %add3A_177 = arith.constant 16 : i32
      %add3A_178 = vector.broadcast %add3A_177 : i32 to vector<16xi32>
      %add3A_179 = arith.addi %xor3A_173, %add3A_178 : vector<16xi32>
      %select_n3A_180 = arith.select %lt3A_176, %add3A_179, %xor3A_173 : vector<16xi1>, vector<16xi32>
      %broadcast_in_dim3A_181 = vector.shape_cast %select_n3A_180 : vector<16xi32> to vector<16x1xi32>
      %gather3A_182 = vector.shape_cast %broadcast_in_dim3A_181 : vector<16x1xi32> to vector<16xi32>
      %gather3A_183 = tpu.dynamic_gather %max3A_170[%gather3A_182] in [0] : vector<16xf32>, vector<16xi32> -> vector<16xf32>
      %max3A_184 = arith.maximumf %max3A_170, %gather3A_183 : vector<16xf32>
      %xor3A_185 = arith.constant 8 : i32
      %xor3A_186 = vector.broadcast %xor3A_185 : i32 to vector<16xi32>
      %xor3A_187 = arith.xori %iota3A, %xor3A_186 : vector<16xi32>
      %lt3A_188 = arith.constant 0 : i32
      %lt3A_189 = vector.broadcast %lt3A_188 : i32 to vector<16xi32>
      %lt3A_190 = arith.cmpi slt, %xor3A_187, %lt3A_189 : vector<16xi32>
      %add3A_191 = arith.constant 16 : i32
      %add3A_192 = vector.broadcast %add3A_191 : i32 to vector<16xi32>
      %add3A_193 = arith.addi %xor3A_187, %add3A_192 : vector<16xi32>
      %select_n3A_194 = arith.select %lt3A_190, %add3A_193, %xor3A_187 : vector<16xi1>, vector<16xi32>
      %broadcast_in_dim3A_195 = vector.shape_cast %select_n3A_194 : vector<16xi32> to vector<16x1xi32>
      %gather3A_196 = vector.shape_cast %broadcast_in_dim3A_195 : vector<16x1xi32> to vector<16xi32>
      %gather3A_197 = tpu.dynamic_gather %max3A_184[%gather3A_196] in [0] : vector<16xf32>, vector<16xi32> -> vector<16xf32>
      %max3A_198 = arith.maximumf %max3A_184, %gather3A_197 : vector<16xf32>
      %sub3A = arith.subf %get3A_27, %max3A_198 : vector<16xf32>
      %exp3A = math.exp %sub3A : vector<16xf32>
      %xor3A_199 = arith.constant 1 : i32
      %xor3A_200 = vector.broadcast %xor3A_199 : i32 to vector<16xi32>
      %xor3A_201 = arith.xori %iota3A, %xor3A_200 : vector<16xi32>
      %lt3A_202 = arith.constant 0 : i32
      %lt3A_203 = vector.broadcast %lt3A_202 : i32 to vector<16xi32>
      %lt3A_204 = arith.cmpi slt, %xor3A_201, %lt3A_203 : vector<16xi32>
      %add3A_205 = arith.constant 16 : i32
      %add3A_206 = vector.broadcast %add3A_205 : i32 to vector<16xi32>
      %add3A_207 = arith.addi %xor3A_201, %add3A_206 : vector<16xi32>
      %select_n3A_208 = arith.select %lt3A_204, %add3A_207, %xor3A_201 : vector<16xi1>, vector<16xi32>
      %broadcast_in_dim3A_209 = vector.shape_cast %select_n3A_208 : vector<16xi32> to vector<16x1xi32>
      %gather3A_210 = vector.shape_cast %broadcast_in_dim3A_209 : vector<16x1xi32> to vector<16xi32>
      %gather3A_211 = tpu.dynamic_gather %exp3A[%gather3A_210] in [0] : vector<16xf32>, vector<16xi32> -> vector<16xf32>
      %add3A_212 = arith.addf %exp3A, %gather3A_211 : vector<16xf32>
      %xor3A_213 = arith.constant 2 : i32
      %xor3A_214 = vector.broadcast %xor3A_213 : i32 to vector<16xi32>
      %xor3A_215 = arith.xori %iota3A, %xor3A_214 : vector<16xi32>
      %lt3A_216 = arith.constant 0 : i32
      %lt3A_217 = vector.broadcast %lt3A_216 : i32 to vector<16xi32>
      %lt3A_218 = arith.cmpi slt, %xor3A_215, %lt3A_217 : vector<16xi32>
      %add3A_219 = arith.constant 16 : i32
      %add3A_220 = vector.broadcast %add3A_219 : i32 to vector<16xi32>
      %add3A_221 = arith.addi %xor3A_215, %add3A_220 : vector<16xi32>
      %select_n3A_222 = arith.select %lt3A_218, %add3A_221, %xor3A_215 : vector<16xi1>, vector<16xi32>
      %broadcast_in_dim3A_223 = vector.shape_cast %select_n3A_222 : vector<16xi32> to vector<16x1xi32>
      %gather3A_224 = vector.shape_cast %broadcast_in_dim3A_223 : vector<16x1xi32> to vector<16xi32>
      %gather3A_225 = tpu.dynamic_gather %add3A_212[%gather3A_224] in [0] : vector<16xf32>, vector<16xi32> -> vector<16xf32>
      %add3A_226 = arith.addf %add3A_212, %gather3A_225 : vector<16xf32>
      %xor3A_227 = arith.constant 4 : i32
      %xor3A_228 = vector.broadcast %xor3A_227 : i32 to vector<16xi32>
      %xor3A_229 = arith.xori %iota3A, %xor3A_228 : vector<16xi32>
      %lt3A_230 = arith.constant 0 : i32
      %lt3A_231 = vector.broadcast %lt3A_230 : i32 to vector<16xi32>
      %lt3A_232 = arith.cmpi slt, %xor3A_229, %lt3A_231 : vector<16xi32>
      %add3A_233 = arith.constant 16 : i32
      %add3A_234 = vector.broadcast %add3A_233 : i32 to vector<16xi32>
      %add3A_235 = arith.addi %xor3A_229, %add3A_234 : vector<16xi32>
      %select_n3A_236 = arith.select %lt3A_232, %add3A_235, %xor3A_229 : vector<16xi1>, vector<16xi32>
      %broadcast_in_dim3A_237 = vector.shape_cast %select_n3A_236 : vector<16xi32> to vector<16x1xi32>
      %gather3A_238 = vector.shape_cast %broadcast_in_dim3A_237 : vector<16x1xi32> to vector<16xi32>
      %gather3A_239 = tpu.dynamic_gather %add3A_226[%gather3A_238] in [0] : vector<16xf32>, vector<16xi32> -> vector<16xf32>
      %add3A_240 = arith.addf %add3A_226, %gather3A_239 : vector<16xf32>
      %xor3A_241 = arith.constant 8 : i32
      %xor3A_242 = vector.broadcast %xor3A_241 : i32 to vector<16xi32>
      %xor3A_243 = arith.xori %iota3A, %xor3A_242 : vector<16xi32>
      %lt3A_244 = arith.constant 0 : i32
      %lt3A_245 = vector.broadcast %lt3A_244 : i32 to vector<16xi32>
      %lt3A_246 = arith.cmpi slt, %xor3A_243, %lt3A_245 : vector<16xi32>
      %add3A_247 = arith.constant 16 : i32
      %add3A_248 = vector.broadcast %add3A_247 : i32 to vector<16xi32>
      %add3A_249 = arith.addi %xor3A_243, %add3A_248 : vector<16xi32>
      %select_n3A_250 = arith.select %lt3A_246, %add3A_249, %xor3A_243 : vector<16xi1>, vector<16xi32>
      %broadcast_in_dim3A_251 = vector.shape_cast %select_n3A_250 : vector<16xi32> to vector<16x1xi32>
      %gather3A_252 = vector.shape_cast %broadcast_in_dim3A_251 : vector<16x1xi32> to vector<16xi32>
      %gather3A_253 = tpu.dynamic_gather %add3A_240[%gather3A_252] in [0] : vector<16xf32>, vector<16xi32> -> vector<16xf32>
      %add3A_254 = arith.addf %add3A_240, %gather3A_253 : vector<16xf32>
      %sub3A_255 = arith.constant 1.000000e+00 : f32
      %sub3A_256 = vector.broadcast %sub3A_255 : f32 to vector<16xf32>
      %sub3A_257 = arith.subf %add3A_254, %sub3A_256 : vector<16xf32>
      %mul3A_258 = arith.constant 0.184839249 : f32
      %mul3A_259 = vector.broadcast %mul3A_258 : f32 to vector<16xf32>
      %mul3A_260 = arith.mulf %mul3A_259, %sub3A_257 : vector<16xf32>
      %sub3A_261 = arith.constant 0.000000e+00 : f32
      %sub3A_262 = vector.broadcast %sub3A_261 : f32 to vector<16xf32>
      %sub3A_263 = arith.subf %sub3A_262, %mul3A_260 : vector<16xf32>
      %exp3A_264 = math.exp %sub3A_263 : vector<16xf32>
      %mul3A_265 = arith.mulf %add3A_254, %exp3A_264 : vector<16xf32>
      %sub3A_266 = arith.constant 1.000000e+00 : f32
      %sub3A_267 = vector.broadcast %sub3A_266 : f32 to vector<16xf32>
      %sub3A_268 = arith.subf %mul3A_265, %sub3A_267 : vector<16xf32>
      %add3A_269 = arith.addf %mul3A_260, %sub3A_268 : vector<16xf32>
      %sub3A_270 = arith.constant 0.000000e+00 : f32
      %sub3A_271 = vector.broadcast %sub3A_270 : f32 to vector<16xf32>
      %sub3A_272 = arith.subf %sub3A_271, %add3A_269 : vector<16xf32>
      %exp3A_273 = math.exp %sub3A_272 : vector<16xf32>
      %mul3A_274 = arith.mulf %add3A_254, %exp3A_273 : vector<16xf32>
      %sub3A_275 = arith.constant 1.000000e+00 : f32
      %sub3A_276 = vector.broadcast %sub3A_275 : f32 to vector<16xf32>
      %sub3A_277 = arith.subf %mul3A_274, %sub3A_276 : vector<16xf32>
      %add3A_278 = arith.addf %add3A_269, %sub3A_277 : vector<16xf32>
      %sub3A_279 = arith.constant 0.000000e+00 : f32
      %sub3A_280 = vector.broadcast %sub3A_279 : f32 to vector<16xf32>
      %sub3A_281 = arith.subf %sub3A_280, %add3A_278 : vector<16xf32>
      %exp3A_282 = math.exp %sub3A_281 : vector<16xf32>
      %mul3A_283 = arith.mulf %add3A_254, %exp3A_282 : vector<16xf32>
      %sub3A_284 = arith.constant 1.000000e+00 : f32
      %sub3A_285 = vector.broadcast %sub3A_284 : f32 to vector<16xf32>
      %sub3A_286 = arith.subf %mul3A_283, %sub3A_285 : vector<16xf32>
      %add3A_287 = arith.addf %add3A_278, %sub3A_286 : vector<16xf32>
      %sub3A_288 = arith.constant 0.000000e+00 : f32
      %sub3A_289 = vector.broadcast %sub3A_288 : f32 to vector<16xf32>
      %sub3A_290 = arith.subf %sub3A_289, %add3A_287 : vector<16xf32>
      %exp3A_291 = math.exp %sub3A_290 : vector<16xf32>
      %mul3A_292 = arith.mulf %add3A_254, %exp3A_291 : vector<16xf32>
      %sub3A_293 = arith.constant 1.000000e+00 : f32
      %sub3A_294 = vector.broadcast %sub3A_293 : f32 to vector<16xf32>
      %sub3A_295 = arith.subf %mul3A_292, %sub3A_294 : vector<16xf32>
      %add3A_296 = arith.addf %add3A_287, %sub3A_295 : vector<16xf32>
      %sub3A_297 = arith.constant 0.000000e+00 : f32
      %sub3A_298 = vector.broadcast %sub3A_297 : f32 to vector<16xf32>
      %sub3A_299 = arith.subf %sub3A_298, %add3A_296 : vector<16xf32>
      %exp3A_300 = math.exp %sub3A_299 : vector<16xf32>
      %mul3A_301 = arith.mulf %add3A_254, %exp3A_300 : vector<16xf32>
      %sub3A_302 = arith.constant 1.000000e+00 : f32
      %sub3A_303 = vector.broadcast %sub3A_302 : f32 to vector<16xf32>
      %sub3A_304 = arith.subf %mul3A_301, %sub3A_303 : vector<16xf32>
      %add3A_305 = arith.addf %add3A_296, %sub3A_304 : vector<16xf32>
      %sub3A_306 = arith.subf %sub3A, %add3A_305 : vector<16xf32>
      %lt3A_307 = arith.constant 0 : i32
      %lt3A_308 = vector.broadcast %lt3A_307 : i32 to vector<16xi32>
      %lt3A_309 = arith.cmpi slt, %min3A_142, %lt3A_308 : vector<16xi32>
      %add3A_310 = arith.constant 16 : i32
      %add3A_311 = vector.broadcast %add3A_310 : i32 to vector<16xi32>
      %add3A_312 = arith.addi %min3A_142, %add3A_311 : vector<16xi32>
      %select_n3A_313 = arith.select %lt3A_309, %add3A_312, %min3A_142 : vector<16xi1>, vector<16xi32>
      %broadcast_in_dim3A_314 = vector.shape_cast %select_n3A_313 : vector<16xi32> to vector<16x1xi32>
      %gather3A_315 = vector.shape_cast %broadcast_in_dim3A_314 : vector<16x1xi32> to vector<16xi32>
      %gather3A_316 = tpu.dynamic_gather %sub3A_306[%gather3A_315] in [0] : vector<16xf32>, vector<16xi32> -> vector<16xf32>
      %div3A = arith.divf %exp3A, %add3A_254 : vector<16xf32>
      %mul3A_317 = arith.mulf %div3A, %sub3A_306 : vector<16xf32>
      %xor3A_318 = arith.constant 1 : i32
      %xor3A_319 = vector.broadcast %xor3A_318 : i32 to vector<16xi32>
      %xor3A_320 = arith.xori %iota3A, %xor3A_319 : vector<16xi32>
      %lt3A_321 = arith.constant 0 : i32
      %lt3A_322 = vector.broadcast %lt3A_321 : i32 to vector<16xi32>
      %lt3A_323 = arith.cmpi slt, %xor3A_320, %lt3A_322 : vector<16xi32>
      %add3A_324 = arith.constant 16 : i32
      %add3A_325 = vector.broadcast %add3A_324 : i32 to vector<16xi32>
      %add3A_326 = arith.addi %xor3A_320, %add3A_325 : vector<16xi32>
      %select_n3A_327 = arith.select %lt3A_323, %add3A_326, %xor3A_320 : vector<16xi1>, vector<16xi32>
      %broadcast_in_dim3A_328 = vector.shape_cast %select_n3A_327 : vector<16xi32> to vector<16x1xi32>
      %gather3A_329 = vector.shape_cast %broadcast_in_dim3A_328 : vector<16x1xi32> to vector<16xi32>
      %gather3A_330 = tpu.dynamic_gather %mul3A_317[%gather3A_329] in [0] : vector<16xf32>, vector<16xi32> -> vector<16xf32>
      %add3A_331 = arith.addf %mul3A_317, %gather3A_330 : vector<16xf32>
      %xor3A_332 = arith.constant 2 : i32
      %xor3A_333 = vector.broadcast %xor3A_332 : i32 to vector<16xi32>
      %xor3A_334 = arith.xori %iota3A, %xor3A_333 : vector<16xi32>
      %lt3A_335 = arith.constant 0 : i32
      %lt3A_336 = vector.broadcast %lt3A_335 : i32 to vector<16xi32>
      %lt3A_337 = arith.cmpi slt, %xor3A_334, %lt3A_336 : vector<16xi32>
      %add3A_338 = arith.constant 16 : i32
      %add3A_339 = vector.broadcast %add3A_338 : i32 to vector<16xi32>
      %add3A_340 = arith.addi %xor3A_334, %add3A_339 : vector<16xi32>
      %select_n3A_341 = arith.select %lt3A_337, %add3A_340, %xor3A_334 : vector<16xi1>, vector<16xi32>
      %broadcast_in_dim3A_342 = vector.shape_cast %select_n3A_341 : vector<16xi32> to vector<16x1xi32>
      %gather3A_343 = vector.shape_cast %broadcast_in_dim3A_342 : vector<16x1xi32> to vector<16xi32>
      %gather3A_344 = tpu.dynamic_gather %add3A_331[%gather3A_343] in [0] : vector<16xf32>, vector<16xi32> -> vector<16xf32>
      %add3A_345 = arith.addf %add3A_331, %gather3A_344 : vector<16xf32>
      %xor3A_346 = arith.constant 4 : i32
      %xor3A_347 = vector.broadcast %xor3A_346 : i32 to vector<16xi32>
      %xor3A_348 = arith.xori %iota3A, %xor3A_347 : vector<16xi32>
      %lt3A_349 = arith.constant 0 : i32
      %lt3A_350 = vector.broadcast %lt3A_349 : i32 to vector<16xi32>
      %lt3A_351 = arith.cmpi slt, %xor3A_348, %lt3A_350 : vector<16xi32>
      %add3A_352 = arith.constant 16 : i32
      %add3A_353 = vector.broadcast %add3A_352 : i32 to vector<16xi32>
      %add3A_354 = arith.addi %xor3A_348, %add3A_353 : vector<16xi32>
      %select_n3A_355 = arith.select %lt3A_351, %add3A_354, %xor3A_348 : vector<16xi1>, vector<16xi32>
      %broadcast_in_dim3A_356 = vector.shape_cast %select_n3A_355 : vector<16xi32> to vector<16x1xi32>
      %gather3A_357 = vector.shape_cast %broadcast_in_dim3A_356 : vector<16x1xi32> to vector<16xi32>
      %gather3A_358 = tpu.dynamic_gather %add3A_345[%gather3A_357] in [0] : vector<16xf32>, vector<16xi32> -> vector<16xf32>
      %add3A_359 = arith.addf %add3A_345, %gather3A_358 : vector<16xf32>
      %xor3A_360 = arith.constant 8 : i32
      %xor3A_361 = vector.broadcast %xor3A_360 : i32 to vector<16xi32>
      %xor3A_362 = arith.xori %iota3A, %xor3A_361 : vector<16xi32>
      %lt3A_363 = arith.constant 0 : i32
      %lt3A_364 = vector.broadcast %lt3A_363 : i32 to vector<16xi32>
      %lt3A_365 = arith.cmpi slt, %xor3A_362, %lt3A_364 : vector<16xi32>
      %add3A_366 = arith.constant 16 : i32
      %add3A_367 = vector.broadcast %add3A_366 : i32 to vector<16xi32>
      %add3A_368 = arith.addi %xor3A_362, %add3A_367 : vector<16xi32>
      %select_n3A_369 = arith.select %lt3A_365, %add3A_368, %xor3A_362 : vector<16xi1>, vector<16xi32>
      %broadcast_in_dim3A_370 = vector.shape_cast %select_n3A_369 : vector<16xi32> to vector<16x1xi32>
      %gather3A_371 = vector.shape_cast %broadcast_in_dim3A_370 : vector<16x1xi32> to vector<16xi32>
      %gather3A_372 = tpu.dynamic_gather %add3A_359[%gather3A_371] in [0] : vector<16xf32>, vector<16xi32> -> vector<16xf32>
      %add3A_373 = arith.addf %add3A_359, %gather3A_372 : vector<16xf32>
      %sub3A_374 = arith.constant 0.000000e+00 : f32
      %sub3A_375 = vector.broadcast %sub3A_374 : f32 to vector<16xf32>
      %sub3A_376 = arith.subf %sub3A_375, %add3A_373 : vector<16xf32>
      %eq3A_377 = arith.constant 0 : i32
      %eq3A_378 = vector.broadcast %eq3A_377 : i32 to vector<16xi32>
      %eq3A_379 = arith.cmpi eq, %iota3A, %eq3A_378 : vector<16xi32>
      %select_n3A_380 = arith.select %eq3A_379, %min3A_142, %broadcast_in_dim3A_19 : vector<16xi1>, vector<16xi32>
      %select_n3A_381 = arith.select %eq3A_379, %gather3A_316, %broadcast_in_dim3A_21 : vector<16xi1>, vector<16xf32>
      %select_n3A_382 = arith.select %eq3A_379, %sub3A_376, %broadcast_in_dim3A_23 : vector<16xi1>, vector<16xf32>
      %get3A_383 = arith.constant 1 : i32
      %get3A_384 = arith.index_cast %get3A_383 : i32 to index
      %get3A_385 = arith.constant 0 : index
      %get3A_386 = tpu.vector_load %arg7[%get3A_384, %get3A_385] {strides = array<i32>} : memref<4x16xf32, #tpu.memory_space<vmem>>, vector<1x16xf32>,
      %get3A_387 = vector.shape_cast %get3A_386 : vector<1x16xf32> to vector<16xf32>
      %get3A_388 = arith.constant 1 : i32
      %get3A_389 = arith.index_cast %get3A_388 : i32 to index
      %get3A_390 = arith.constant 0 : index
      %get3A_391 = tpu.vector_load %arg8[%get3A_389, %get3A_390] {strides = array<i32>} : memref<4x16xf32, #tpu.memory_space<vmem>>, vector<1x16xf32>,
      %get3A_392 = vector.shape_cast %get3A_391 : vector<1x16xf32> to vector<16xf32>
      %add3A_393 = arith.addf %get3A_387, %get3A_392 : vector<16xf32>
      %xor3A_394 = arith.constant 1 : i32
      %xor3A_395 = vector.broadcast %xor3A_394 : i32 to vector<16xi32>
      %xor3A_396 = arith.xori %iota3A, %xor3A_395 : vector<16xi32>
      %lt3A_397 = arith.constant 0 : i32
      %lt3A_398 = vector.broadcast %lt3A_397 : i32 to vector<16xi32>
      %lt3A_399 = arith.cmpi slt, %xor3A_396, %lt3A_398 : vector<16xi32>
      %add3A_400 = arith.constant 16 : i32
      %add3A_401 = vector.broadcast %add3A_400 : i32 to vector<16xi32>
      %add3A_402 = arith.addi %xor3A_396, %add3A_401 : vector<16xi32>
      %select_n3A_403 = arith.select %lt3A_399, %add3A_402, %xor3A_396 : vector<16xi1>, vector<16xi32>
      %broadcast_in_dim3A_404 = vector.shape_cast %select_n3A_403 : vector<16xi32> to vector<16x1xi32>
      %gather3A_405 = vector.shape_cast %broadcast_in_dim3A_404 : vector<16x1xi32> to vector<16xi32>
      %gather3A_406 = tpu.dynamic_gather %add3A_393[%gather3A_405] in [0] : vector<16xf32>, vector<16xi32> -> vector<16xf32>
      %max3A_407 = arith.maximumf %add3A_393, %gather3A_406 : vector<16xf32>
      %xor3A_408 = arith.constant 2 : i32
      %xor3A_409 = vector.broadcast %xor3A_408 : i32 to vector<16xi32>
      %xor3A_410 = arith.xori %iota3A, %xor3A_409 : vector<16xi32>
      %lt3A_411 = arith.constant 0 : i32
      %lt3A_412 = vector.broadcast %lt3A_411 : i32 to vector<16xi32>
      %lt3A_413 = arith.cmpi slt, %xor3A_410, %lt3A_412 : vector<16xi32>
      %add3A_414 = arith.constant 16 : i32
      %add3A_415 = vector.broadcast %add3A_414 : i32 to vector<16xi32>
      %add3A_416 = arith.addi %xor3A_410, %add3A_415 : vector<16xi32>
      %select_n3A_417 = arith.select %lt3A_413, %add3A_416, %xor3A_410 : vector<16xi1>, vector<16xi32>
      %broadcast_in_dim3A_418 = vector.shape_cast %select_n3A_417 : vector<16xi32> to vector<16x1xi32>
      %gather3A_419 = vector.shape_cast %broadcast_in_dim3A_418 : vector<16x1xi32> to vector<16xi32>
      %gather3A_420 = tpu.dynamic_gather %max3A_407[%gather3A_419] in [0] : vector<16xf32>, vector<16xi32> -> vector<16xf32>
      %max3A_421 = arith.maximumf %max3A_407, %gather3A_420 : vector<16xf32>
      %xor3A_422 = arith.constant 4 : i32
      %xor3A_423 = vector.broadcast %xor3A_422 : i32 to vector<16xi32>
      %xor3A_424 = arith.xori %iota3A, %xor3A_423 : vector<16xi32>
      %lt3A_425 = arith.constant 0 : i32
      %lt3A_426 = vector.broadcast %lt3A_425 : i32 to vector<16xi32>
      %lt3A_427 = arith.cmpi slt, %xor3A_424, %lt3A_426 : vector<16xi32>
      %add3A_428 = arith.constant 16 : i32
      %add3A_429 = vector.broadcast %add3A_428 : i32 to vector<16xi32>
      %add3A_430 = arith.addi %xor3A_424, %add3A_429 : vector<16xi32>
      %select_n3A_431 = arith.select %lt3A_427, %add3A_430, %xor3A_424 : vector<16xi1>, vector<16xi32>
      %broadcast_in_dim3A_432 = vector.shape_cast %select_n3A_431 : vector<16xi32> to vector<16x1xi32>
      %gather3A_433 = vector.shape_cast %broadcast_in_dim3A_432 : vector<16x1xi32> to vector<16xi32>
      %gather3A_434 = tpu.dynamic_gather %max3A_421[%gather3A_433] in [0] : vector<16xf32>, vector<16xi32> -> vector<16xf32>
      %max3A_435 = arith.maximumf %max3A_421, %gather3A_434 : vector<16xf32>
      %xor3A_436 = arith.constant 8 : i32
      %xor3A_437 = vector.broadcast %xor3A_436 : i32 to vector<16xi32>
      %xor3A_438 = arith.xori %iota3A, %xor3A_437 : vector<16xi32>
      %lt3A_439 = arith.constant 0 : i32
      %lt3A_440 = vector.broadcast %lt3A_439 : i32 to vector<16xi32>
      %lt3A_441 = arith.cmpi slt, %xor3A_438, %lt3A_440 : vector<16xi32>
      %add3A_442 = arith.constant 16 : i32
      %add3A_443 = vector.broadcast %add3A_442 : i32 to vector<16xi32>
      %add3A_444 = arith.addi %xor3A_438, %add3A_443 : vector<16xi32>
      %select_n3A_445 = arith.select %lt3A_441, %add3A_444, %xor3A_438 : vector<16xi1>, vector<16xi32>
      %broadcast_in_dim3A_446 = vector.shape_cast %select_n3A_445 : vector<16xi32> to vector<16x1xi32>
      %gather3A_447 = vector.shape_cast %broadcast_in_dim3A_446 : vector<16x1xi32> to vector<16xi32>
      %gather3A_448 = tpu.dynamic_gather %max3A_435[%gather3A_447] in [0] : vector<16xf32>, vector<16xi32> -> vector<16xf32>
      %max3A_449 = arith.maximumf %max3A_435, %gather3A_448 : vector<16xf32>
      %eq3A_450 = arith.cmpf oeq, %add3A_393, %max3A_449 : vector<16xf32>
      %jit3A_451 = arith.constant 16 : i32
      %broadcast_in_dim3A_452 = vector.broadcast %jit3A_451 : i32 to vector<16xi32>
      %select_n3A_453 = arith.select %eq3A_450, %iota3A, %broadcast_in_dim3A_452 : vector<16xi1>, vector<16xi32>
      %xor3A_454 = arith.constant 1 : i32
      %xor3A_455 = vector.broadcast %xor3A_454 : i32 to vector<16xi32>
      %xor3A_456 = arith.xori %iota3A, %xor3A_455 : vector<16xi32>
      %lt3A_457 = arith.constant 0 : i32
      %lt3A_458 = vector.broadcast %lt3A_457 : i32 to vector<16xi32>
      %lt3A_459 = arith.cmpi slt, %xor3A_456, %lt3A_458 : vector<16xi32>
      %add3A_460 = arith.constant 16 : i32
      %add3A_461 = vector.broadcast %add3A_460 : i32 to vector<16xi32>
      %add3A_462 = arith.addi %xor3A_456, %add3A_461 : vector<16xi32>
      %select_n3A_463 = arith.select %lt3A_459, %add3A_462, %xor3A_456 : vector<16xi1>, vector<16xi32>
      %broadcast_in_dim3A_464 = vector.shape_cast %select_n3A_463 : vector<16xi32> to vector<16x1xi32>
      %gather3A_465 = vector.shape_cast %broadcast_in_dim3A_464 : vector<16x1xi32> to vector<16xi32>
      %gather3A_466 = tpu.dynamic_gather %select_n3A_453[%gather3A_465] in [0] : vector<16xi32>, vector<16xi32> -> vector<16xi32>
      %min3A_467 = arith.minsi %select_n3A_453, %gather3A_466 : vector<16xi32>
      %xor3A_468 = arith.constant 2 : i32
      %xor3A_469 = vector.broadcast %xor3A_468 : i32 to vector<16xi32>
      %xor3A_470 = arith.xori %iota3A, %xor3A_469 : vector<16xi32>
      %lt3A_471 = arith.constant 0 : i32
      %lt3A_472 = vector.broadcast %lt3A_471 : i32 to vector<16xi32>
      %lt3A_473 = arith.cmpi slt, %xor3A_470, %lt3A_472 : vector<16xi32>
      %add3A_474 = arith.constant 16 : i32
      %add3A_475 = vector.broadcast %add3A_474 : i32 to vector<16xi32>
      %add3A_476 = arith.addi %xor3A_470, %add3A_475 : vector<16xi32>
      %select_n3A_477 = arith.select %lt3A_473, %add3A_476, %xor3A_470 : vector<16xi1>, vector<16xi32>
      %broadcast_in_dim3A_478 = vector.shape_cast %select_n3A_477 : vector<16xi32> to vector<16x1xi32>
      %gather3A_479 = vector.shape_cast %broadcast_in_dim3A_478 : vector<16x1xi32> to vector<16xi32>
      %gather3A_480 = tpu.dynamic_gather %min3A_467[%gather3A_479] in [0] : vector<16xi32>, vector<16xi32> -> vector<16xi32>
      %min3A_481 = arith.minsi %min3A_467, %gather3A_480 : vector<16xi32>
      %xor3A_482 = arith.constant 4 : i32
      %xor3A_483 = vector.broadcast %xor3A_482 : i32 to vector<16xi32>
      %xor3A_484 = arith.xori %iota3A, %xor3A_483 : vector<16xi32>
      %lt3A_485 = arith.constant 0 : i32
      %lt3A_486 = vector.broadcast %lt3A_485 : i32 to vector<16xi32>
      %lt3A_487 = arith.cmpi slt, %xor3A_484, %lt3A_486 : vector<16xi32>
      %add3A_488 = arith.constant 16 : i32
      %add3A_489 = vector.broadcast %add3A_488 : i32 to vector<16xi32>
      %add3A_490 = arith.addi %xor3A_484, %add3A_489 : vector<16xi32>
      %select_n3A_491 = arith.select %lt3A_487, %add3A_490, %xor3A_484 : vector<16xi1>, vector<16xi32>
      %broadcast_in_dim3A_492 = vector.shape_cast %select_n3A_491 : vector<16xi32> to vector<16x1xi32>
      %gather3A_493 = vector.shape_cast %broadcast_in_dim3A_492 : vector<16x1xi32> to vector<16xi32>
      %gather3A_494 = tpu.dynamic_gather %min3A_481[%gather3A_493] in [0] : vector<16xi32>, vector<16xi32> -> vector<16xi32>
      %min3A_495 = arith.minsi %min3A_481, %gather3A_494 : vector<16xi32>
      %xor3A_496 = arith.constant 8 : i32
      %xor3A_497 = vector.broadcast %xor3A_496 : i32 to vector<16xi32>
      %xor3A_498 = arith.xori %iota3A, %xor3A_497 : vector<16xi32>
      %lt3A_499 = arith.constant 0 : i32
      %lt3A_500 = vector.broadcast %lt3A_499 : i32 to vector<16xi32>
      %lt3A_501 = arith.cmpi slt, %xor3A_498, %lt3A_500 : vector<16xi32>
      %add3A_502 = arith.constant 16 : i32
      %add3A_503 = vector.broadcast %add3A_502 : i32 to vector<16xi32>
      %add3A_504 = arith.addi %xor3A_498, %add3A_503 : vector<16xi32>
      %select_n3A_505 = arith.select %lt3A_501, %add3A_504, %xor3A_498 : vector<16xi1>, vector<16xi32>
      %broadcast_in_dim3A_506 = vector.shape_cast %select_n3A_505 : vector<16xi32> to vector<16x1xi32>
      %gather3A_507 = vector.shape_cast %broadcast_in_dim3A_506 : vector<16x1xi32> to vector<16xi32>
      %gather3A_508 = tpu.dynamic_gather %min3A_495[%gather3A_507] in [0] : vector<16xi32>, vector<16xi32> -> vector<16xi32>
      %min3A_509 = arith.minsi %min3A_495, %gather3A_508 : vector<16xi32>
      %xor3A_510 = arith.constant 1 : i32
      %xor3A_511 = vector.broadcast %xor3A_510 : i32 to vector<16xi32>
      %xor3A_512 = arith.xori %iota3A, %xor3A_511 : vector<16xi32>
      %lt3A_513 = arith.constant 0 : i32
      %lt3A_514 = vector.broadcast %lt3A_513 : i32 to vector<16xi32>
      %lt3A_515 = arith.cmpi slt, %xor3A_512, %lt3A_514 : vector<16xi32>
      %add3A_516 = arith.constant 16 : i32
      %add3A_517 = vector.broadcast %add3A_516 : i32 to vector<16xi32>
      %add3A_518 = arith.addi %xor3A_512, %add3A_517 : vector<16xi32>
      %select_n3A_519 = arith.select %lt3A_515, %add3A_518, %xor3A_512 : vector<16xi1>, vector<16xi32>
      %broadcast_in_dim3A_520 = vector.shape_cast %select_n3A_519 : vector<16xi32> to vector<16x1xi32>
      %gather3A_521 = vector.shape_cast %broadcast_in_dim3A_520 : vector<16x1xi32> to vector<16xi32>
      %gather3A_522 = tpu.dynamic_gather %get3A_387[%gather3A_521] in [0] : vector<16xf32>, vector<16xi32> -> vector<16xf32>
      %max3A_523 = arith.maximumf %get3A_387, %gather3A_522 : vector<16xf32>
      %xor3A_524 = arith.constant 2 : i32
      %xor3A_525 = vector.broadcast %xor3A_524 : i32 to vector<16xi32>
      %xor3A_526 = arith.xori %iota3A, %xor3A_525 : vector<16xi32>
      %lt3A_527 = arith.constant 0 : i32
      %lt3A_528 = vector.broadcast %lt3A_527 : i32 to vector<16xi32>
      %lt3A_529 = arith.cmpi slt, %xor3A_526, %lt3A_528 : vector<16xi32>
      %add3A_530 = arith.constant 16 : i32
      %add3A_531 = vector.broadcast %add3A_530 : i32 to vector<16xi32>
      %add3A_532 = arith.addi %xor3A_526, %add3A_531 : vector<16xi32>
      %select_n3A_533 = arith.select %lt3A_529, %add3A_532, %xor3A_526 : vector<16xi1>, vector<16xi32>
      %broadcast_in_dim3A_534 = vector.shape_cast %select_n3A_533 : vector<16xi32> to vector<16x1xi32>
      %gather3A_535 = vector.shape_cast %broadcast_in_dim3A_534 : vector<16x1xi32> to vector<16xi32>
      %gather3A_536 = tpu.dynamic_gather %max3A_523[%gather3A_535] in [0] : vector<16xf32>, vector<16xi32> -> vector<16xf32>
      %max3A_537 = arith.maximumf %max3A_523, %gather3A_536 : vector<16xf32>
      %xor3A_538 = arith.constant 4 : i32
      %xor3A_539 = vector.broadcast %xor3A_538 : i32 to vector<16xi32>
      %xor3A_540 = arith.xori %iota3A, %xor3A_539 : vector<16xi32>
      %lt3A_541 = arith.constant 0 : i32
      %lt3A_542 = vector.broadcast %lt3A_541 : i32 to vector<16xi32>
      %lt3A_543 = arith.cmpi slt, %xor3A_540, %lt3A_542 : vector<16xi32>
      %add3A_544 = arith.constant 16 : i32
      %add3A_545 = vector.broadcast %add3A_544 : i32 to vector<16xi32>
      %add3A_546 = arith.addi %xor3A_540, %add3A_545 : vector<16xi32>
      %select_n3A_547 = arith.select %lt3A_543, %add3A_546, %xor3A_540 : vector<16xi1>, vector<16xi32>
      %broadcast_in_dim3A_548 = vector.shape_cast %select_n3A_547 : vector<16xi32> to vector<16x1xi32>
      %gather3A_549 = vector.shape_cast %broadcast_in_dim3A_548 : vector<16x1xi32> to vector<16xi32>
      %gather3A_550 = tpu.dynamic_gather %max3A_537[%gather3A_549] in [0] : vector<16xf32>, vector<16xi32> -> vector<16xf32>
      %max3A_551 = arith.maximumf %max3A_537, %gather3A_550 : vector<16xf32>
      %xor3A_552 = arith.constant 8 : i32
      %xor3A_553 = vector.broadcast %xor3A_552 : i32 to vector<16xi32>
      %xor3A_554 = arith.xori %iota3A, %xor3A_553 : vector<16xi32>
      %lt3A_555 = arith.constant 0 : i32
      %lt3A_556 = vector.broadcast %lt3A_555 : i32 to vector<16xi32>
      %lt3A_557 = arith.cmpi slt, %xor3A_554, %lt3A_556 : vector<16xi32>
      %add3A_558 = arith.constant 16 : i32
      %add3A_559 = vector.broadcast %add3A_558 : i32 to vector<16xi32>
      %add3A_560 = arith.addi %xor3A_554, %add3A_559 : vector<16xi32>
      %select_n3A_561 = arith.select %lt3A_557, %add3A_560, %xor3A_554 : vector<16xi1>, vector<16xi32>
      %broadcast_in_dim3A_562 = vector.shape_cast %select_n3A_561 : vector<16xi32> to vector<16x1xi32>
      %gather3A_563 = vector.shape_cast %broadcast_in_dim3A_562 : vector<16x1xi32> to vector<16xi32>
      %gather3A_564 = tpu.dynamic_gather %max3A_551[%gather3A_563] in [0] : vector<16xf32>, vector<16xi32> -> vector<16xf32>
      %max3A_565 = arith.maximumf %max3A_551, %gather3A_564 : vector<16xf32>
      %sub3A_566 = arith.subf %get3A_387, %max3A_565 : vector<16xf32>
      %exp3A_567 = math.exp %sub3A_566 : vector<16xf32>
      %xor3A_568 = arith.constant 1 : i32
      %xor3A_569 = vector.broadcast %xor3A_568 : i32 to vector<16xi32>
      %xor3A_570 = arith.xori %iota3A, %xor3A_569 : vector<16xi32>
      %lt3A_571 = arith.constant 0 : i32
      %lt3A_572 = vector.broadcast %lt3A_571 : i32 to vector<16xi32>
      %lt3A_573 = arith.cmpi slt, %xor3A_570, %lt3A_572 : vector<16xi32>
      %add3A_574 = arith.constant 16 : i32
      %add3A_575 = vector.broadcast %add3A_574 : i32 to vector<16xi32>
      %add3A_576 = arith.addi %xor3A_570, %add3A_575 : vector<16xi32>
      %select_n3A_577 = arith.select %lt3A_573, %add3A_576, %xor3A_570 : vector<16xi1>, vector<16xi32>
      %broadcast_in_dim3A_578 = vector.shape_cast %select_n3A_577 : vector<16xi32> to vector<16x1xi32>
      %gather3A_579 = vector.shape_cast %broadcast_in_dim3A_578 : vector<16x1xi32> to vector<16xi32>
      %gather3A_580 = tpu.dynamic_gather %exp3A_567[%gather3A_579] in [0] : vector<16xf32>, vector<16xi32> -> vector<16xf32>
      %add3A_581 = arith.addf %exp3A_567, %gather3A_580 : vector<16xf32>
      %xor3A_582 = arith.constant 2 : i32
      %xor3A_583 = vector.broadcast %xor3A_582 : i32 to vector<16xi32>
      %xor3A_584 = arith.xori %iota3A, %xor3A_583 : vector<16xi32>
      %lt3A_585 = arith.constant 0 : i32
      %lt3A_586 = vector.broadcast %lt3A_585 : i32 to vector<16xi32>
      %lt3A_587 = arith.cmpi slt, %xor3A_584, %lt3A_586 : vector<16xi32>
      %add3A_588 = arith.constant 16 : i32
      %add3A_589 = vector.broadcast %add3A_588 : i32 to vector<16xi32>
      %add3A_590 = arith.addi %xor3A_584, %add3A_589 : vector<16xi32>
      %select_n3A_591 = arith.select %lt3A_587, %add3A_590, %xor3A_584 : vector<16xi1>, vector<16xi32>
      %broadcast_in_dim3A_592 = vector.shape_cast %select_n3A_591 : vector<16xi32> to vector<16x1xi32>
      %gather3A_593 = vector.shape_cast %broadcast_in_dim3A_592 : vector<16x1xi32> to vector<16xi32>
      %gather3A_594 = tpu.dynamic_gather %add3A_581[%gather3A_593] in [0] : vector<16xf32>, vector<16xi32> -> vector<16xf32>
      %add3A_595 = arith.addf %add3A_581, %gather3A_594 : vector<16xf32>
      %xor3A_596 = arith.constant 4 : i32
      %xor3A_597 = vector.broadcast %xor3A_596 : i32 to vector<16xi32>
      %xor3A_598 = arith.xori %iota3A, %xor3A_597 : vector<16xi32>
      %lt3A_599 = arith.constant 0 : i32
      %lt3A_600 = vector.broadcast %lt3A_599 : i32 to vector<16xi32>
      %lt3A_601 = arith.cmpi slt, %xor3A_598, %lt3A_600 : vector<16xi32>
      %add3A_602 = arith.constant 16 : i32
      %add3A_603 = vector.broadcast %add3A_602 : i32 to vector<16xi32>
      %add3A_604 = arith.addi %xor3A_598, %add3A_603 : vector<16xi32>
      %select_n3A_605 = arith.select %lt3A_601, %add3A_604, %xor3A_598 : vector<16xi1>, vector<16xi32>
      %broadcast_in_dim3A_606 = vector.shape_cast %select_n3A_605 : vector<16xi32> to vector<16x1xi32>
      %gather3A_607 = vector.shape_cast %broadcast_in_dim3A_606 : vector<16x1xi32> to vector<16xi32>
      %gather3A_608 = tpu.dynamic_gather %add3A_595[%gather3A_607] in [0] : vector<16xf32>, vector<16xi32> -> vector<16xf32>
      %add3A_609 = arith.addf %add3A_595, %gather3A_608 : vector<16xf32>
      %xor3A_610 = arith.constant 8 : i32
      %xor3A_611 = vector.broadcast %xor3A_610 : i32 to vector<16xi32>
      %xor3A_612 = arith.xori %iota3A, %xor3A_611 : vector<16xi32>
      %lt3A_613 = arith.constant 0 : i32
      %lt3A_614 = vector.broadcast %lt3A_613 : i32 to vector<16xi32>
      %lt3A_615 = arith.cmpi slt, %xor3A_612, %lt3A_614 : vector<16xi32>
      %add3A_616 = arith.constant 16 : i32
      %add3A_617 = vector.broadcast %add3A_616 : i32 to vector<16xi32>
      %add3A_618 = arith.addi %xor3A_612, %add3A_617 : vector<16xi32>
      %select_n3A_619 = arith.select %lt3A_615, %add3A_618, %xor3A_612 : vector<16xi1>, vector<16xi32>
      %broadcast_in_dim3A_620 = vector.shape_cast %select_n3A_619 : vector<16xi32> to vector<16x1xi32>
      %gather3A_621 = vector.shape_cast %broadcast_in_dim3A_620 : vector<16x1xi32> to vector<16xi32>
      %gather3A_622 = tpu.dynamic_gather %add3A_609[%gather3A_621] in [0] : vector<16xf32>, vector<16xi32> -> vector<16xf32>
      %add3A_623 = arith.addf %add3A_609, %gather3A_622 : vector<16xf32>
      %sub3A_624 = arith.constant 1.000000e+00 : f32
      %sub3A_625 = vector.broadcast %sub3A_624 : f32 to vector<16xf32>
      %sub3A_626 = arith.subf %add3A_623, %sub3A_625 : vector<16xf32>
      %mul3A_627 = arith.constant 0.184839249 : f32
      %mul3A_628 = vector.broadcast %mul3A_627 : f32 to vector<16xf32>
      %mul3A_629 = arith.mulf %mul3A_628, %sub3A_626 : vector<16xf32>
      %sub3A_630 = arith.constant 0.000000e+00 : f32
      %sub3A_631 = vector.broadcast %sub3A_630 : f32 to vector<16xf32>
      %sub3A_632 = arith.subf %sub3A_631, %mul3A_629 : vector<16xf32>
      %exp3A_633 = math.exp %sub3A_632 : vector<16xf32>
      %mul3A_634 = arith.mulf %add3A_623, %exp3A_633 : vector<16xf32>
      %sub3A_635 = arith.constant 1.000000e+00 : f32
      %sub3A_636 = vector.broadcast %sub3A_635 : f32 to vector<16xf32>
      %sub3A_637 = arith.subf %mul3A_634, %sub3A_636 : vector<16xf32>
      %add3A_638 = arith.addf %mul3A_629, %sub3A_637 : vector<16xf32>
      %sub3A_639 = arith.constant 0.000000e+00 : f32
      %sub3A_640 = vector.broadcast %sub3A_639 : f32 to vector<16xf32>
      %sub3A_641 = arith.subf %sub3A_640, %add3A_638 : vector<16xf32>
      %exp3A_642 = math.exp %sub3A_641 : vector<16xf32>
      %mul3A_643 = arith.mulf %add3A_623, %exp3A_642 : vector<16xf32>
      %sub3A_644 = arith.constant 1.000000e+00 : f32
      %sub3A_645 = vector.broadcast %sub3A_644 : f32 to vector<16xf32>
      %sub3A_646 = arith.subf %mul3A_643, %sub3A_645 : vector<16xf32>
      %add3A_647 = arith.addf %add3A_638, %sub3A_646 : vector<16xf32>
      %sub3A_648 = arith.constant 0.000000e+00 : f32
      %sub3A_649 = vector.broadcast %sub3A_648 : f32 to vector<16xf32>
      %sub3A_650 = arith.subf %sub3A_649, %add3A_647 : vector<16xf32>
      %exp3A_651 = math.exp %sub3A_650 : vector<16xf32>
      %mul3A_652 = arith.mulf %add3A_623, %exp3A_651 : vector<16xf32>
      %sub3A_653 = arith.constant 1.000000e+00 : f32
      %sub3A_654 = vector.broadcast %sub3A_653 : f32 to vector<16xf32>
      %sub3A_655 = arith.subf %mul3A_652, %sub3A_654 : vector<16xf32>
      %add3A_656 = arith.addf %add3A_647, %sub3A_655 : vector<16xf32>
      %sub3A_657 = arith.constant 0.000000e+00 : f32
      %sub3A_658 = vector.broadcast %sub3A_657 : f32 to vector<16xf32>
      %sub3A_659 = arith.subf %sub3A_658, %add3A_656 : vector<16xf32>
      %exp3A_660 = math.exp %sub3A_659 : vector<16xf32>
      %mul3A_661 = arith.mulf %add3A_623, %exp3A_660 : vector<16xf32>
      %sub3A_662 = arith.constant 1.000000e+00 : f32
      %sub3A_663 = vector.broadcast %sub3A_662 : f32 to vector<16xf32>
      %sub3A_664 = arith.subf %mul3A_661, %sub3A_663 : vector<16xf32>
      %add3A_665 = arith.addf %add3A_656, %sub3A_664 : vector<16xf32>
      %sub3A_666 = arith.constant 0.000000e+00 : f32
      %sub3A_667 = vector.broadcast %sub3A_666 : f32 to vector<16xf32>
      %sub3A_668 = arith.subf %sub3A_667, %add3A_665 : vector<16xf32>
      %exp3A_669 = math.exp %sub3A_668 : vector<16xf32>
      %mul3A_670 = arith.mulf %add3A_623, %exp3A_669 : vector<16xf32>
      %sub3A_671 = arith.constant 1.000000e+00 : f32
      %sub3A_672 = vector.broadcast %sub3A_671 : f32 to vector<16xf32>
      %sub3A_673 = arith.subf %mul3A_670, %sub3A_672 : vector<16xf32>
      %add3A_674 = arith.addf %add3A_665, %sub3A_673 : vector<16xf32>
      %sub3A_675 = arith.subf %sub3A_566, %add3A_674 : vector<16xf32>
      %lt3A_676 = arith.constant 0 : i32
      %lt3A_677 = vector.broadcast %lt3A_676 : i32 to vector<16xi32>
      %lt3A_678 = arith.cmpi slt, %min3A_509, %lt3A_677 : vector<16xi32>
      %add3A_679 = arith.constant 16 : i32
      %add3A_680 = vector.broadcast %add3A_679 : i32 to vector<16xi32>
      %add3A_681 = arith.addi %min3A_509, %add3A_680 : vector<16xi32>
      %select_n3A_682 = arith.select %lt3A_678, %add3A_681, %min3A_509 : vector<16xi1>, vector<16xi32>
      %broadcast_in_dim3A_683 = vector.shape_cast %select_n3A_682 : vector<16xi32> to vector<16x1xi32>
      %gather3A_684 = vector.shape_cast %broadcast_in_dim3A_683 : vector<16x1xi32> to vector<16xi32>
      %gather3A_685 = tpu.dynamic_gather %sub3A_675[%gather3A_684] in [0] : vector<16xf32>, vector<16xi32> -> vector<16xf32>
      %div3A_686 = arith.divf %exp3A_567, %add3A_623 : vector<16xf32>
      %mul3A_687 = arith.mulf %div3A_686, %sub3A_675 : vector<16xf32>
      %xor3A_688 = arith.constant 1 : i32
      %xor3A_689 = vector.broadcast %xor3A_688 : i32 to vector<16xi32>
      %xor3A_690 = arith.xori %iota3A, %xor3A_689 : vector<16xi32>
      %lt3A_691 = arith.constant 0 : i32
      %lt3A_692 = vector.broadcast %lt3A_691 : i32 to vector<16xi32>
      %lt3A_693 = arith.cmpi slt, %xor3A_690, %lt3A_692 : vector<16xi32>
      %add3A_694 = arith.constant 16 : i32
      %add3A_695 = vector.broadcast %add3A_694 : i32 to vector<16xi32>
      %add3A_696 = arith.addi %xor3A_690, %add3A_695 : vector<16xi32>
      %select_n3A_697 = arith.select %lt3A_693, %add3A_696, %xor3A_690 : vector<16xi1>, vector<16xi32>
      %broadcast_in_dim3A_698 = vector.shape_cast %select_n3A_697 : vector<16xi32> to vector<16x1xi32>
      %gather3A_699 = vector.shape_cast %broadcast_in_dim3A_698 : vector<16x1xi32> to vector<16xi32>
      %gather3A_700 = tpu.dynamic_gather %mul3A_687[%gather3A_699] in [0] : vector<16xf32>, vector<16xi32> -> vector<16xf32>
      %add3A_701 = arith.addf %mul3A_687, %gather3A_700 : vector<16xf32>
      %xor3A_702 = arith.constant 2 : i32
      %xor3A_703 = vector.broadcast %xor3A_702 : i32 to vector<16xi32>
      %xor3A_704 = arith.xori %iota3A, %xor3A_703 : vector<16xi32>
      %lt3A_705 = arith.constant 0 : i32
      %lt3A_706 = vector.broadcast %lt3A_705 : i32 to vector<16xi32>
      %lt3A_707 = arith.cmpi slt, %xor3A_704, %lt3A_706 : vector<16xi32>
      %add3A_708 = arith.constant 16 : i32
      %add3A_709 = vector.broadcast %add3A_708 : i32 to vector<16xi32>
      %add3A_710 = arith.addi %xor3A_704, %add3A_709 : vector<16xi32>
      %select_n3A_711 = arith.select %lt3A_707, %add3A_710, %xor3A_704 : vector<16xi1>, vector<16xi32>
      %broadcast_in_dim3A_712 = vector.shape_cast %select_n3A_711 : vector<16xi32> to vector<16x1xi32>
      %gather3A_713 = vector.shape_cast %broadcast_in_dim3A_712 : vector<16x1xi32> to vector<16xi32>
      %gather3A_714 = tpu.dynamic_gather %add3A_701[%gather3A_713] in [0] : vector<16xf32>, vector<16xi32> -> vector<16xf32>
      %add3A_715 = arith.addf %add3A_701, %gather3A_714 : vector<16xf32>
      %xor3A_716 = arith.constant 4 : i32
      %xor3A_717 = vector.broadcast %xor3A_716 : i32 to vector<16xi32>
      %xor3A_718 = arith.xori %iota3A, %xor3A_717 : vector<16xi32>
      %lt3A_719 = arith.constant 0 : i32
      %lt3A_720 = vector.broadcast %lt3A_719 : i32 to vector<16xi32>
      %lt3A_721 = arith.cmpi slt, %xor3A_718, %lt3A_720 : vector<16xi32>
      %add3A_722 = arith.constant 16 : i32
      %add3A_723 = vector.broadcast %add3A_722 : i32 to vector<16xi32>
      %add3A_724 = arith.addi %xor3A_718, %add3A_723 : vector<16xi32>
      %select_n3A_725 = arith.select %lt3A_721, %add3A_724, %xor3A_718 : vector<16xi1>, vector<16xi32>
      %broadcast_in_dim3A_726 = vector.shape_cast %select_n3A_725 : vector<16xi32> to vector<16x1xi32>
      %gather3A_727 = vector.shape_cast %broadcast_in_dim3A_726 : vector<16x1xi32> to vector<16xi32>
      %gather3A_728 = tpu.dynamic_gather %add3A_715[%gather3A_727] in [0] : vector<16xf32>, vector<16xi32> -> vector<16xf32>
      %add3A_729 = arith.addf %add3A_715, %gather3A_728 : vector<16xf32>
      %xor3A_730 = arith.constant 8 : i32
      %xor3A_731 = vector.broadcast %xor3A_730 : i32 to vector<16xi32>
      %xor3A_732 = arith.xori %iota3A, %xor3A_731 : vector<16xi32>
      %lt3A_733 = arith.constant 0 : i32
      %lt3A_734 = vector.broadcast %lt3A_733 : i32 to vector<16xi32>
      %lt3A_735 = arith.cmpi slt, %xor3A_732, %lt3A_734 : vector<16xi32>
      %add3A_736 = arith.constant 16 : i32
      %add3A_737 = vector.broadcast %add3A_736 : i32 to vector<16xi32>
      %add3A_738 = arith.addi %xor3A_732, %add3A_737 : vector<16xi32>
      %select_n3A_739 = arith.select %lt3A_735, %add3A_738, %xor3A_732 : vector<16xi1>, vector<16xi32>
      %broadcast_in_dim3A_740 = vector.shape_cast %select_n3A_739 : vector<16xi32> to vector<16x1xi32>
      %gather3A_741 = vector.shape_cast %broadcast_in_dim3A_740 : vector<16x1xi32> to vector<16xi32>
      %gather3A_742 = tpu.dynamic_gather %add3A_729[%gather3A_741] in [0] : vector<16xf32>, vector<16xi32> -> vector<16xf32>
      %add3A_743 = arith.addf %add3A_729, %gather3A_742 : vector<16xf32>
      %sub3A_744 = arith.constant 0.000000e+00 : f32
      %sub3A_745 = vector.broadcast %sub3A_744 : f32 to vector<16xf32>
      %sub3A_746 = arith.subf %sub3A_745, %add3A_743 : vector<16xf32>
      %eq3A_747 = arith.constant 1 : i32
      %eq3A_748 = vector.broadcast %eq3A_747 : i32 to vector<16xi32>
      %eq3A_749 = arith.cmpi eq, %iota3A, %eq3A_748 : vector<16xi32>
      %select_n3A_750 = arith.select %eq3A_749, %min3A_509, %select_n3A_380 : vector<16xi1>, vector<16xi32>
      %select_n3A_751 = arith.select %eq3A_749, %gather3A_685, %select_n3A_381 : vector<16xi1>, vector<16xf32>
      %select_n3A_752 = arith.select %eq3A_749, %sub3A_746, %select_n3A_382 : vector<16xi1>, vector<16xf32>
      %get3A_753 = arith.constant 2 : i32
      %get3A_754 = arith.index_cast %get3A_753 : i32 to index
      %get3A_755 = arith.constant 0 : index
      %get3A_756 = tpu.vector_load %arg7[%get3A_754, %get3A_755] {strides = array<i32>} : memref<4x16xf32, #tpu.memory_space<vmem>>, vector<1x16xf32>,
      %get3A_757 = vector.shape_cast %get3A_756 : vector<1x16xf32> to vector<16xf32>
      %get3A_758 = arith.constant 2 : i32
      %get3A_759 = arith.index_cast %get3A_758 : i32 to index
      %get3A_760 = arith.constant 0 : index
      %get3A_761 = tpu.vector_load %arg8[%get3A_759, %get3A_760] {strides = array<i32>} : memref<4x16xf32, #tpu.memory_space<vmem>>, vector<1x16xf32>,
      %get3A_762 = vector.shape_cast %get3A_761 : vector<1x16xf32> to vector<16xf32>
      %add3A_763 = arith.addf %get3A_757, %get3A_762 : vector<16xf32>
      %xor3A_764 = arith.constant 1 : i32
      %xor3A_765 = vector.broadcast %xor3A_764 : i32 to vector<16xi32>
      %xor3A_766 = arith.xori %iota3A, %xor3A_765 : vector<16xi32>
      %lt3A_767 = arith.constant 0 : i32
      %lt3A_768 = vector.broadcast %lt3A_767 : i32 to vector<16xi32>
      %lt3A_769 = arith.cmpi slt, %xor3A_766, %lt3A_768 : vector<16xi32>
      %add3A_770 = arith.constant 16 : i32
      %add3A_771 = vector.broadcast %add3A_770 : i32 to vector<16xi32>
      %add3A_772 = arith.addi %xor3A_766, %add3A_771 : vector<16xi32>
      %select_n3A_773 = arith.select %lt3A_769, %add3A_772, %xor3A_766 : vector<16xi1>, vector<16xi32>
      %broadcast_in_dim3A_774 = vector.shape_cast %select_n3A_773 : vector<16xi32> to vector<16x1xi32>
      %gather3A_775 = vector.shape_cast %broadcast_in_dim3A_774 : vector<16x1xi32> to vector<16xi32>
      %gather3A_776 = tpu.dynamic_gather %add3A_763[%gather3A_775] in [0] : vector<16xf32>, vector<16xi32> -> vector<16xf32>
      %max3A_777 = arith.maximumf %add3A_763, %gather3A_776 : vector<16xf32>
      %xor3A_778 = arith.constant 2 : i32
      %xor3A_779 = vector.broadcast %xor3A_778 : i32 to vector<16xi32>
      %xor3A_780 = arith.xori %iota3A, %xor3A_779 : vector<16xi32>
      %lt3A_781 = arith.constant 0 : i32
      %lt3A_782 = vector.broadcast %lt3A_781 : i32 to vector<16xi32>
      %lt3A_783 = arith.cmpi slt, %xor3A_780, %lt3A_782 : vector<16xi32>
      %add3A_784 = arith.constant 16 : i32
      %add3A_785 = vector.broadcast %add3A_784 : i32 to vector<16xi32>
      %add3A_786 = arith.addi %xor3A_780, %add3A_785 : vector<16xi32>
      %select_n3A_787 = arith.select %lt3A_783, %add3A_786, %xor3A_780 : vector<16xi1>, vector<16xi32>
      %broadcast_in_dim3A_788 = vector.shape_cast %select_n3A_787 : vector<16xi32> to vector<16x1xi32>
      %gather3A_789 = vector.shape_cast %broadcast_in_dim3A_788 : vector<16x1xi32> to vector<16xi32>
      %gather3A_790 = tpu.dynamic_gather %max3A_777[%gather3A_789] in [0] : vector<16xf32>, vector<16xi32> -> vector<16xf32>
      %max3A_791 = arith.maximumf %max3A_777, %gather3A_790 : vector<16xf32>
      %xor3A_792 = arith.constant 4 : i32
      %xor3A_793 = vector.broadcast %xor3A_792 : i32 to vector<16xi32>
      %xor3A_794 = arith.xori %iota3A, %xor3A_793 : vector<16xi32>
      %lt3A_795 = arith.constant 0 : i32
      %lt3A_796 = vector.broadcast %lt3A_795 : i32 to vector<16xi32>
      %lt3A_797 = arith.cmpi slt, %xor3A_794, %lt3A_796 : vector<16xi32>
      %add3A_798 = arith.constant 16 : i32
      %add3A_799 = vector.broadcast %add3A_798 : i32 to vector<16xi32>
      %add3A_800 = arith.addi %xor3A_794, %add3A_799 : vector<16xi32>
      %select_n3A_801 = arith.select %lt3A_797, %add3A_800, %xor3A_794 : vector<16xi1>, vector<16xi32>
      %broadcast_in_dim3A_802 = vector.shape_cast %select_n3A_801 : vector<16xi32> to vector<16x1xi32>
      %gather3A_803 = vector.shape_cast %broadcast_in_dim3A_802 : vector<16x1xi32> to vector<16xi32>
      %gather3A_804 = tpu.dynamic_gather %max3A_791[%gather3A_803] in [0] : vector<16xf32>, vector<16xi32> -> vector<16xf32>
      %max3A_805 = arith.maximumf %max3A_791, %gather3A_804 : vector<16xf32>
      %xor3A_806 = arith.constant 8 : i32
      %xor3A_807 = vector.broadcast %xor3A_806 : i32 to vector<16xi32>
      %xor3A_808 = arith.xori %iota3A, %xor3A_807 : vector<16xi32>
      %lt3A_809 = arith.constant 0 : i32
      %lt3A_810 = vector.broadcast %lt3A_809 : i32 to vector<16xi32>
      %lt3A_811 = arith.cmpi slt, %xor3A_808, %lt3A_810 : vector<16xi32>
      %add3A_812 = arith.constant 16 : i32
      %add3A_813 = vector.broadcast %add3A_812 : i32 to vector<16xi32>
      %add3A_814 = arith.addi %xor3A_808, %add3A_813 : vector<16xi32>
      %select_n3A_815 = arith.select %lt3A_811, %add3A_814, %xor3A_808 : vector<16xi1>, vector<16xi32>
      %broadcast_in_dim3A_816 = vector.shape_cast %select_n3A_815 : vector<16xi32> to vector<16x1xi32>
      %gather3A_817 = vector.shape_cast %broadcast_in_dim3A_816 : vector<16x1xi32> to vector<16xi32>
      %gather3A_818 = tpu.dynamic_gather %max3A_805[%gather3A_817] in [0] : vector<16xf32>, vector<16xi32> -> vector<16xf32>
      %max3A_819 = arith.maximumf %max3A_805, %gather3A_818 : vector<16xf32>
      %eq3A_820 = arith.cmpf oeq, %add3A_763, %max3A_819 : vector<16xf32>
      %jit3A_821 = arith.constant 16 : i32
      %broadcast_in_dim3A_822 = vector.broadcast %jit3A_821 : i32 to vector<16xi32>
      %select_n3A_823 = arith.select %eq3A_820, %iota3A, %broadcast_in_dim3A_822 : vector<16xi1>, vector<16xi32>
      %xor3A_824 = arith.constant 1 : i32
      %xor3A_825 = vector.broadcast %xor3A_824 : i32 to vector<16xi32>
      %xor3A_826 = arith.xori %iota3A, %xor3A_825 : vector<16xi32>
      %lt3A_827 = arith.constant 0 : i32
      %lt3A_828 = vector.broadcast %lt3A_827 : i32 to vector<16xi32>
      %lt3A_829 = arith.cmpi slt, %xor3A_826, %lt3A_828 : vector<16xi32>
      %add3A_830 = arith.constant 16 : i32
      %add3A_831 = vector.broadcast %add3A_830 : i32 to vector<16xi32>
      %add3A_832 = arith.addi %xor3A_826, %add3A_831 : vector<16xi32>
      %select_n3A_833 = arith.select %lt3A_829, %add3A_832, %xor3A_826 : vector<16xi1>, vector<16xi32>
      %broadcast_in_dim3A_834 = vector.shape_cast %select_n3A_833 : vector<16xi32> to vector<16x1xi32>
      %gather3A_835 = vector.shape_cast %broadcast_in_dim3A_834 : vector<16x1xi32> to vector<16xi32>
      %gather3A_836 = tpu.dynamic_gather %select_n3A_823[%gather3A_835] in [0] : vector<16xi32>, vector<16xi32> -> vector<16xi32>
      %min3A_837 = arith.minsi %select_n3A_823, %gather3A_836 : vector<16xi32>
      %xor3A_838 = arith.constant 2 : i32
      %xor3A_839 = vector.broadcast %xor3A_838 : i32 to vector<16xi32>
      %xor3A_840 = arith.xori %iota3A, %xor3A_839 : vector<16xi32>
      %lt3A_841 = arith.constant 0 : i32
      %lt3A_842 = vector.broadcast %lt3A_841 : i32 to vector<16xi32>
      %lt3A_843 = arith.cmpi slt, %xor3A_840, %lt3A_842 : vector<16xi32>
      %add3A_844 = arith.constant 16 : i32
      %add3A_845 = vector.broadcast %add3A_844 : i32 to vector<16xi32>
      %add3A_846 = arith.addi %xor3A_840, %add3A_845 : vector<16xi32>
      %select_n3A_847 = arith.select %lt3A_843, %add3A_846, %xor3A_840 : vector<16xi1>, vector<16xi32>
      %broadcast_in_dim3A_848 = vector.shape_cast %select_n3A_847 : vector<16xi32> to vector<16x1xi32>
      %gather3A_849 = vector.shape_cast %broadcast_in_dim3A_848 : vector<16x1xi32> to vector<16xi32>
      %gather3A_850 = tpu.dynamic_gather %min3A_837[%gather3A_849] in [0] : vector<16xi32>, vector<16xi32> -> vector<16xi32>
      %min3A_851 = arith.minsi %min3A_837, %gather3A_850 : vector<16xi32>
      %xor3A_852 = arith.constant 4 : i32
      %xor3A_853 = vector.broadcast %xor3A_852 : i32 to vector<16xi32>
      %xor3A_854 = arith.xori %iota3A, %xor3A_853 : vector<16xi32>
      %lt3A_855 = arith.constant 0 : i32
      %lt3A_856 = vector.broadcast %lt3A_855 : i32 to vector<16xi32>
      %lt3A_857 = arith.cmpi slt, %xor3A_854, %lt3A_856 : vector<16xi32>
      %add3A_858 = arith.constant 16 : i32
      %add3A_859 = vector.broadcast %add3A_858 : i32 to vector<16xi32>
      %add3A_860 = arith.addi %xor3A_854, %add3A_859 : vector<16xi32>
      %select_n3A_861 = arith.select %lt3A_857, %add3A_860, %xor3A_854 : vector<16xi1>, vector<16xi32>
      %broadcast_in_dim3A_862 = vector.shape_cast %select_n3A_861 : vector<16xi32> to vector<16x1xi32>
      %gather3A_863 = vector.shape_cast %broadcast_in_dim3A_862 : vector<16x1xi32> to vector<16xi32>
      %gather3A_864 = tpu.dynamic_gather %min3A_851[%gather3A_863] in [0] : vector<16xi32>, vector<16xi32> -> vector<16xi32>
      %min3A_865 = arith.minsi %min3A_851, %gather3A_864 : vector<16xi32>
      %xor3A_866 = arith.constant 8 : i32
      %xor3A_867 = vector.broadcast %xor3A_866 : i32 to vector<16xi32>
      %xor3A_868 = arith.xori %iota3A, %xor3A_867 : vector<16xi32>
      %lt3A_869 = arith.constant 0 : i32
      %lt3A_870 = vector.broadcast %lt3A_869 : i32 to vector<16xi32>
      %lt3A_871 = arith.cmpi slt, %xor3A_868, %lt3A_870 : vector<16xi32>
      %add3A_872 = arith.constant 16 : i32
      %add3A_873 = vector.broadcast %add3A_872 : i32 to vector<16xi32>
      %add3A_874 = arith.addi %xor3A_868, %add3A_873 : vector<16xi32>
      %select_n3A_875 = arith.select %lt3A_871, %add3A_874, %xor3A_868 : vector<16xi1>, vector<16xi32>
      %broadcast_in_dim3A_876 = vector.shape_cast %select_n3A_875 : vector<16xi32> to vector<16x1xi32>
      %gather3A_877 = vector.shape_cast %broadcast_in_dim3A_876 : vector<16x1xi32> to vector<16xi32>
      %gather3A_878 = tpu.dynamic_gather %min3A_865[%gather3A_877] in [0] : vector<16xi32>, vector<16xi32> -> vector<16xi32>
      %min3A_879 = arith.minsi %min3A_865, %gather3A_878 : vector<16xi32>
      %xor3A_880 = arith.constant 1 : i32
      %xor3A_881 = vector.broadcast %xor3A_880 : i32 to vector<16xi32>
      %xor3A_882 = arith.xori %iota3A, %xor3A_881 : vector<16xi32>
      %lt3A_883 = arith.constant 0 : i32
      %lt3A_884 = vector.broadcast %lt3A_883 : i32 to vector<16xi32>
      %lt3A_885 = arith.cmpi slt, %xor3A_882, %lt3A_884 : vector<16xi32>
      %add3A_886 = arith.constant 16 : i32
      %add3A_887 = vector.broadcast %add3A_886 : i32 to vector<16xi32>
      %add3A_888 = arith.addi %xor3A_882, %add3A_887 : vector<16xi32>
      %select_n3A_889 = arith.select %lt3A_885, %add3A_888, %xor3A_882 : vector<16xi1>, vector<16xi32>
      %broadcast_in_dim3A_890 = vector.shape_cast %select_n3A_889 : vector<16xi32> to vector<16x1xi32>
      %gather3A_891 = vector.shape_cast %broadcast_in_dim3A_890 : vector<16x1xi32> to vector<16xi32>
      %gather3A_892 = tpu.dynamic_gather %get3A_757[%gather3A_891] in [0] : vector<16xf32>, vector<16xi32> -> vector<16xf32>
      %max3A_893 = arith.maximumf %get3A_757, %gather3A_892 : vector<16xf32>
      %xor3A_894 = arith.constant 2 : i32
      %xor3A_895 = vector.broadcast %xor3A_894 : i32 to vector<16xi32>
      %xor3A_896 = arith.xori %iota3A, %xor3A_895 : vector<16xi32>
      %lt3A_897 = arith.constant 0 : i32
      %lt3A_898 = vector.broadcast %lt3A_897 : i32 to vector<16xi32>
      %lt3A_899 = arith.cmpi slt, %xor3A_896, %lt3A_898 : vector<16xi32>
      %add3A_900 = arith.constant 16 : i32
      %add3A_901 = vector.broadcast %add3A_900 : i32 to vector<16xi32>
      %add3A_902 = arith.addi %xor3A_896, %add3A_901 : vector<16xi32>
      %select_n3A_903 = arith.select %lt3A_899, %add3A_902, %xor3A_896 : vector<16xi1>, vector<16xi32>
      %broadcast_in_dim3A_904 = vector.shape_cast %select_n3A_903 : vector<16xi32> to vector<16x1xi32>
      %gather3A_905 = vector.shape_cast %broadcast_in_dim3A_904 : vector<16x1xi32> to vector<16xi32>
      %gather3A_906 = tpu.dynamic_gather %max3A_893[%gather3A_905] in [0] : vector<16xf32>, vector<16xi32> -> vector<16xf32>
      %max3A_907 = arith.maximumf %max3A_893, %gather3A_906 : vector<16xf32>
      %xor3A_908 = arith.constant 4 : i32
      %xor3A_909 = vector.broadcast %xor3A_908 : i32 to vector<16xi32>
      %xor3A_910 = arith.xori %iota3A, %xor3A_909 : vector<16xi32>
      %lt3A_911 = arith.constant 0 : i32
      %lt3A_912 = vector.broadcast %lt3A_911 : i32 to vector<16xi32>
      %lt3A_913 = arith.cmpi slt, %xor3A_910, %lt3A_912 : vector<16xi32>
      %add3A_914 = arith.constant 16 : i32
      %add3A_915 = vector.broadcast %add3A_914 : i32 to vector<16xi32>
      %add3A_916 = arith.addi %xor3A_910, %add3A_915 : vector<16xi32>
      %select_n3A_917 = arith.select %lt3A_913, %add3A_916, %xor3A_910 : vector<16xi1>, vector<16xi32>
      %broadcast_in_dim3A_918 = vector.shape_cast %select_n3A_917 : vector<16xi32> to vector<16x1xi32>
      %gather3A_919 = vector.shape_cast %broadcast_in_dim3A_918 : vector<16x1xi32> to vector<16xi32>
      %gather3A_920 = tpu.dynamic_gather %max3A_907[%gather3A_919] in [0] : vector<16xf32>, vector<16xi32> -> vector<16xf32>
      %max3A_921 = arith.maximumf %max3A_907, %gather3A_920 : vector<16xf32>
      %xor3A_922 = arith.constant 8 : i32
      %xor3A_923 = vector.broadcast %xor3A_922 : i32 to vector<16xi32>
      %xor3A_924 = arith.xori %iota3A, %xor3A_923 : vector<16xi32>
      %lt3A_925 = arith.constant 0 : i32
      %lt3A_926 = vector.broadcast %lt3A_925 : i32 to vector<16xi32>
      %lt3A_927 = arith.cmpi slt, %xor3A_924, %lt3A_926 : vector<16xi32>
      %add3A_928 = arith.constant 16 : i32
      %add3A_929 = vector.broadcast %add3A_928 : i32 to vector<16xi32>
      %add3A_930 = arith.addi %xor3A_924, %add3A_929 : vector<16xi32>
      %select_n3A_931 = arith.select %lt3A_927, %add3A_930, %xor3A_924 : vector<16xi1>, vector<16xi32>
      %broadcast_in_dim3A_932 = vector.shape_cast %select_n3A_931 : vector<16xi32> to vector<16x1xi32>
      %gather3A_933 = vector.shape_cast %broadcast_in_dim3A_932 : vector<16x1xi32> to vector<16xi32>
      %gather3A_934 = tpu.dynamic_gather %max3A_921[%gather3A_933] in [0] : vector<16xf32>, vector<16xi32> -> vector<16xf32>
      %max3A_935 = arith.maximumf %max3A_921, %gather3A_934 : vector<16xf32>
      %sub3A_936 = arith.subf %get3A_757, %max3A_935 : vector<16xf32>
      %exp3A_937 = math.exp %sub3A_936 : vector<16xf32>
      %xor3A_938 = arith.constant 1 : i32
      %xor3A_939 = vector.broadcast %xor3A_938 : i32 to vector<16xi32>
      %xor3A_940 = arith.xori %iota3A, %xor3A_939 : vector<16xi32>
      %lt3A_941 = arith.constant 0 : i32
      %lt3A_942 = vector.broadcast %lt3A_941 : i32 to vector<16xi32>
      %lt3A_943 = arith.cmpi slt, %xor3A_940, %lt3A_942 : vector<16xi32>
      %add3A_944 = arith.constant 16 : i32
      %add3A_945 = vector.broadcast %add3A_944 : i32 to vector<16xi32>
      %add3A_946 = arith.addi %xor3A_940, %add3A_945 : vector<16xi32>
      %select_n3A_947 = arith.select %lt3A_943, %add3A_946, %xor3A_940 : vector<16xi1>, vector<16xi32>
      %broadcast_in_dim3A_948 = vector.shape_cast %select_n3A_947 : vector<16xi32> to vector<16x1xi32>
      %gather3A_949 = vector.shape_cast %broadcast_in_dim3A_948 : vector<16x1xi32> to vector<16xi32>
      %gather3A_950 = tpu.dynamic_gather %exp3A_937[%gather3A_949] in [0] : vector<16xf32>, vector<16xi32> -> vector<16xf32>
      %add3A_951 = arith.addf %exp3A_937, %gather3A_950 : vector<16xf32>
      %xor3A_952 = arith.constant 2 : i32
      %xor3A_953 = vector.broadcast %xor3A_952 : i32 to vector<16xi32>
      %xor3A_954 = arith.xori %iota3A, %xor3A_953 : vector<16xi32>
      %lt3A_955 = arith.constant 0 : i32
      %lt3A_956 = vector.broadcast %lt3A_955 : i32 to vector<16xi32>
      %lt3A_957 = arith.cmpi slt, %xor3A_954, %lt3A_956 : vector<16xi32>
      %add3A_958 = arith.constant 16 : i32
      %add3A_959 = vector.broadcast %add3A_958 : i32 to vector<16xi32>
      %add3A_960 = arith.addi %xor3A_954, %add3A_959 : vector<16xi32>
      %select_n3A_961 = arith.select %lt3A_957, %add3A_960, %xor3A_954 : vector<16xi1>, vector<16xi32>
      %broadcast_in_dim3A_962 = vector.shape_cast %select_n3A_961 : vector<16xi32> to vector<16x1xi32>
      %gather3A_963 = vector.shape_cast %broadcast_in_dim3A_962 : vector<16x1xi32> to vector<16xi32>
      %gather3A_964 = tpu.dynamic_gather %add3A_951[%gather3A_963] in [0] : vector<16xf32>, vector<16xi32> -> vector<16xf32>
      %add3A_965 = arith.addf %add3A_951, %gather3A_964 : vector<16xf32>
      %xor3A_966 = arith.constant 4 : i32
      %xor3A_967 = vector.broadcast %xor3A_966 : i32 to vector<16xi32>
      %xor3A_968 = arith.xori %iota3A, %xor3A_967 : vector<16xi32>
      %lt3A_969 = arith.constant 0 : i32
      %lt3A_970 = vector.broadcast %lt3A_969 : i32 to vector<16xi32>
      %lt3A_971 = arith.cmpi slt, %xor3A_968, %lt3A_970 : vector<16xi32>
      %add3A_972 = arith.constant 16 : i32
      %add3A_973 = vector.broadcast %add3A_972 : i32 to vector<16xi32>
      %add3A_974 = arith.addi %xor3A_968, %add3A_973 : vector<16xi32>
      %select_n3A_975 = arith.select %lt3A_971, %add3A_974, %xor3A_968 : vector<16xi1>, vector<16xi32>
      %broadcast_in_dim3A_976 = vector.shape_cast %select_n3A_975 : vector<16xi32> to vector<16x1xi32>
      %gather3A_977 = vector.shape_cast %broadcast_in_dim3A_976 : vector<16x1xi32> to vector<16xi32>
      %gather3A_978 = tpu.dynamic_gather %add3A_965[%gather3A_977] in [0] : vector<16xf32>, vector<16xi32> -> vector<16xf32>
      %add3A_979 = arith.addf %add3A_965, %gather3A_978 : vector<16xf32>
      %xor3A_980 = arith.constant 8 : i32
      %xor3A_981 = vector.broadcast %xor3A_980 : i32 to vector<16xi32>
      %xor3A_982 = arith.xori %iota3A, %xor3A_981 : vector<16xi32>
      %lt3A_983 = arith.constant 0 : i32
      %lt3A_984 = vector.broadcast %lt3A_983 : i32 to vector<16xi32>
      %lt3A_985 = arith.cmpi slt, %xor3A_982, %lt3A_984 : vector<16xi32>
      %add3A_986 = arith.constant 16 : i32
      %add3A_987 = vector.broadcast %add3A_986 : i32 to vector<16xi32>
      %add3A_988 = arith.addi %xor3A_982, %add3A_987 : vector<16xi32>
      %select_n3A_989 = arith.select %lt3A_985, %add3A_988, %xor3A_982 : vector<16xi1>, vector<16xi32>
      %broadcast_in_dim3A_990 = vector.shape_cast %select_n3A_989 : vector<16xi32> to vector<16x1xi32>
      %gather3A_991 = vector.shape_cast %broadcast_in_dim3A_990 : vector<16x1xi32> to vector<16xi32>
      %gather3A_992 = tpu.dynamic_gather %add3A_979[%gather3A_991] in [0] : vector<16xf32>, vector<16xi32> -> vector<16xf32>
      %add3A_993 = arith.addf %add3A_979, %gather3A_992 : vector<16xf32>
      %sub3A_994 = arith.constant 1.000000e+00 : f32
      %sub3A_995 = vector.broadcast %sub3A_994 : f32 to vector<16xf32>
      %sub3A_996 = arith.subf %add3A_993, %sub3A_995 : vector<16xf32>
      %mul3A_997 = arith.constant 0.184839249 : f32
      %mul3A_998 = vector.broadcast %mul3A_997 : f32 to vector<16xf32>
      %mul3A_999 = arith.mulf %mul3A_998, %sub3A_996 : vector<16xf32>
      %sub3A_1000 = arith.constant 0.000000e+00 : f32
      %sub3A_1001 = vector.broadcast %sub3A_1000 : f32 to vector<16xf32>
      %sub3A_1002 = arith.subf %sub3A_1001, %mul3A_999 : vector<16xf32>
      %exp3A_1003 = math.exp %sub3A_1002 : vector<16xf32>
      %mul3A_1004 = arith.mulf %add3A_993, %exp3A_1003 : vector<16xf32>
      %sub3A_1005 = arith.constant 1.000000e+00 : f32
      %sub3A_1006 = vector.broadcast %sub3A_1005 : f32 to vector<16xf32>
      %sub3A_1007 = arith.subf %mul3A_1004, %sub3A_1006 : vector<16xf32>
      %add3A_1008 = arith.addf %mul3A_999, %sub3A_1007 : vector<16xf32>
      %sub3A_1009 = arith.constant 0.000000e+00 : f32
      %sub3A_1010 = vector.broadcast %sub3A_1009 : f32 to vector<16xf32>
      %sub3A_1011 = arith.subf %sub3A_1010, %add3A_1008 : vector<16xf32>
      %exp3A_1012 = math.exp %sub3A_1011 : vector<16xf32>
      %mul3A_1013 = arith.mulf %add3A_993, %exp3A_1012 : vector<16xf32>
      %sub3A_1014 = arith.constant 1.000000e+00 : f32
      %sub3A_1015 = vector.broadcast %sub3A_1014 : f32 to vector<16xf32>
      %sub3A_1016 = arith.subf %mul3A_1013, %sub3A_1015 : vector<16xf32>
      %add3A_1017 = arith.addf %add3A_1008, %sub3A_1016 : vector<16xf32>
      %sub3A_1018 = arith.constant 0.000000e+00 : f32
      %sub3A_1019 = vector.broadcast %sub3A_1018 : f32 to vector<16xf32>
      %sub3A_1020 = arith.subf %sub3A_1019, %add3A_1017 : vector<16xf32>
      %exp3A_1021 = math.exp %sub3A_1020 : vector<16xf32>
      %mul3A_1022 = arith.mulf %add3A_993, %exp3A_1021 : vector<16xf32>
      %sub3A_1023 = arith.constant 1.000000e+00 : f32
      %sub3A_1024 = vector.broadcast %sub3A_1023 : f32 to vector<16xf32>
      %sub3A_1025 = arith.subf %mul3A_1022, %sub3A_1024 : vector<16xf32>
      %add3A_1026 = arith.addf %add3A_1017, %sub3A_1025 : vector<16xf32>
      %sub3A_1027 = arith.constant 0.000000e+00 : f32
      %sub3A_1028 = vector.broadcast %sub3A_1027 : f32 to vector<16xf32>
      %sub3A_1029 = arith.subf %sub3A_1028, %add3A_1026 : vector<16xf32>
      %exp3A_1030 = math.exp %sub3A_1029 : vector<16xf32>
      %mul3A_1031 = arith.mulf %add3A_993, %exp3A_1030 : vector<16xf32>
      %sub3A_1032 = arith.constant 1.000000e+00 : f32
      %sub3A_1033 = vector.broadcast %sub3A_1032 : f32 to vector<16xf32>
      %sub3A_1034 = arith.subf %mul3A_1031, %sub3A_1033 : vector<16xf32>
      %add3A_1035 = arith.addf %add3A_1026, %sub3A_1034 : vector<16xf32>
      %sub3A_1036 = arith.constant 0.000000e+00 : f32
      %sub3A_1037 = vector.broadcast %sub3A_1036 : f32 to vector<16xf32>
      %sub3A_1038 = arith.subf %sub3A_1037, %add3A_1035 : vector<16xf32>
      %exp3A_1039 = math.exp %sub3A_1038 : vector<16xf32>
      %mul3A_1040 = arith.mulf %add3A_993, %exp3A_1039 : vector<16xf32>
      %sub3A_1041 = arith.constant 1.000000e+00 : f32
      %sub3A_1042 = vector.broadcast %sub3A_1041 : f32 to vector<16xf32>
      %sub3A_1043 = arith.subf %mul3A_1040, %sub3A_1042 : vector<16xf32>
      %add3A_1044 = arith.addf %add3A_1035, %sub3A_1043 : vector<16xf32>
      %sub3A_1045 = arith.subf %sub3A_936, %add3A_1044 : vector<16xf32>
      %lt3A_1046 = arith.constant 0 : i32
      %lt3A_1047 = vector.broadcast %lt3A_1046 : i32 to vector<16xi32>
      %lt3A_1048 = arith.cmpi slt, %min3A_879, %lt3A_1047 : vector<16xi32>
      %add3A_1049 = arith.constant 16 : i32
      %add3A_1050 = vector.broadcast %add3A_1049 : i32 to vector<16xi32>
      %add3A_1051 = arith.addi %min3A_879, %add3A_1050 : vector<16xi32>
      %select_n3A_1052 = arith.select %lt3A_1048, %add3A_1051, %min3A_879 : vector<16xi1>, vector<16xi32>
      %broadcast_in_dim3A_1053 = vector.shape_cast %select_n3A_1052 : vector<16xi32> to vector<16x1xi32>
      %gather3A_1054 = vector.shape_cast %broadcast_in_dim3A_1053 : vector<16x1xi32> to vector<16xi32>
      %gather3A_1055 = tpu.dynamic_gather %sub3A_1045[%gather3A_1054] in [0] : vector<16xf32>, vector<16xi32> -> vector<16xf32>
      %div3A_1056 = arith.divf %exp3A_937, %add3A_993 : vector<16xf32>
      %mul3A_1057 = arith.mulf %div3A_1056, %sub3A_1045 : vector<16xf32>
      %xor3A_1058 = arith.constant 1 : i32
      %xor3A_1059 = vector.broadcast %xor3A_1058 : i32 to vector<16xi32>
      %xor3A_1060 = arith.xori %iota3A, %xor3A_1059 : vector<16xi32>
      %lt3A_1061 = arith.constant 0 : i32
      %lt3A_1062 = vector.broadcast %lt3A_1061 : i32 to vector<16xi32>
      %lt3A_1063 = arith.cmpi slt, %xor3A_1060, %lt3A_1062 : vector<16xi32>
      %add3A_1064 = arith.constant 16 : i32
      %add3A_1065 = vector.broadcast %add3A_1064 : i32 to vector<16xi32>
      %add3A_1066 = arith.addi %xor3A_1060, %add3A_1065 : vector<16xi32>
      %select_n3A_1067 = arith.select %lt3A_1063, %add3A_1066, %xor3A_1060 : vector<16xi1>, vector<16xi32>
      %broadcast_in_dim3A_1068 = vector.shape_cast %select_n3A_1067 : vector<16xi32> to vector<16x1xi32>
      %gather3A_1069 = vector.shape_cast %broadcast_in_dim3A_1068 : vector<16x1xi32> to vector<16xi32>
      %gather3A_1070 = tpu.dynamic_gather %mul3A_1057[%gather3A_1069] in [0] : vector<16xf32>, vector<16xi32> -> vector<16xf32>
      %add3A_1071 = arith.addf %mul3A_1057, %gather3A_1070 : vector<16xf32>
      %xor3A_1072 = arith.constant 2 : i32
      %xor3A_1073 = vector.broadcast %xor3A_1072 : i32 to vector<16xi32>
      %xor3A_1074 = arith.xori %iota3A, %xor3A_1073 : vector<16xi32>
      %lt3A_1075 = arith.constant 0 : i32
      %lt3A_1076 = vector.broadcast %lt3A_1075 : i32 to vector<16xi32>
      %lt3A_1077 = arith.cmpi slt, %xor3A_1074, %lt3A_1076 : vector<16xi32>
      %add3A_1078 = arith.constant 16 : i32
      %add3A_1079 = vector.broadcast %add3A_1078 : i32 to vector<16xi32>
      %add3A_1080 = arith.addi %xor3A_1074, %add3A_1079 : vector<16xi32>
      %select_n3A_1081 = arith.select %lt3A_1077, %add3A_1080, %xor3A_1074 : vector<16xi1>, vector<16xi32>
      %broadcast_in_dim3A_1082 = vector.shape_cast %select_n3A_1081 : vector<16xi32> to vector<16x1xi32>
      %gather3A_1083 = vector.shape_cast %broadcast_in_dim3A_1082 : vector<16x1xi32> to vector<16xi32>
      %gather3A_1084 = tpu.dynamic_gather %add3A_1071[%gather3A_1083] in [0] : vector<16xf32>, vector<16xi32> -> vector<16xf32>
      %add3A_1085 = arith.addf %add3A_1071, %gather3A_1084 : vector<16xf32>
      %xor3A_1086 = arith.constant 4 : i32
      %xor3A_1087 = vector.broadcast %xor3A_1086 : i32 to vector<16xi32>
      %xor3A_1088 = arith.xori %iota3A, %xor3A_1087 : vector<16xi32>
      %lt3A_1089 = arith.constant 0 : i32
      %lt3A_1090 = vector.broadcast %lt3A_1089 : i32 to vector<16xi32>
      %lt3A_1091 = arith.cmpi slt, %xor3A_1088, %lt3A_1090 : vector<16xi32>
      %add3A_1092 = arith.constant 16 : i32
      %add3A_1093 = vector.broadcast %add3A_1092 : i32 to vector<16xi32>
      %add3A_1094 = arith.addi %xor3A_1088, %add3A_1093 : vector<16xi32>
      %select_n3A_1095 = arith.select %lt3A_1091, %add3A_1094, %xor3A_1088 : vector<16xi1>, vector<16xi32>
      %broadcast_in_dim3A_1096 = vector.shape_cast %select_n3A_1095 : vector<16xi32> to vector<16x1xi32>
      %gather3A_1097 = vector.shape_cast %broadcast_in_dim3A_1096 : vector<16x1xi32> to vector<16xi32>
      %gather3A_1098 = tpu.dynamic_gather %add3A_1085[%gather3A_1097] in [0] : vector<16xf32>, vector<16xi32> -> vector<16xf32>
      %add3A_1099 = arith.addf %add3A_1085, %gather3A_1098 : vector<16xf32>
      %xor3A_1100 = arith.constant 8 : i32
      %xor3A_1101 = vector.broadcast %xor3A_1100 : i32 to vector<16xi32>
      %xor3A_1102 = arith.xori %iota3A, %xor3A_1101 : vector<16xi32>
      %lt3A_1103 = arith.constant 0 : i32
      %lt3A_1104 = vector.broadcast %lt3A_1103 : i32 to vector<16xi32>
      %lt3A_1105 = arith.cmpi slt, %xor3A_1102, %lt3A_1104 : vector<16xi32>
      %add3A_1106 = arith.constant 16 : i32
      %add3A_1107 = vector.broadcast %add3A_1106 : i32 to vector<16xi32>
      %add3A_1108 = arith.addi %xor3A_1102, %add3A_1107 : vector<16xi32>
      %select_n3A_1109 = arith.select %lt3A_1105, %add3A_1108, %xor3A_1102 : vector<16xi1>, vector<16xi32>
      %broadcast_in_dim3A_1110 = vector.shape_cast %select_n3A_1109 : vector<16xi32> to vector<16x1xi32>
      %gather3A_1111 = vector.shape_cast %broadcast_in_dim3A_1110 : vector<16x1xi32> to vector<16xi32>
      %gather3A_1112 = tpu.dynamic_gather %add3A_1099[%gather3A_1111] in [0] : vector<16xf32>, vector<16xi32> -> vector<16xf32>
      %add3A_1113 = arith.addf %add3A_1099, %gather3A_1112 : vector<16xf32>
      %sub3A_1114 = arith.constant 0.000000e+00 : f32
      %sub3A_1115 = vector.broadcast %sub3A_1114 : f32 to vector<16xf32>
      %sub3A_1116 = arith.subf %sub3A_1115, %add3A_1113 : vector<16xf32>
      %eq3A_1117 = arith.constant 2 : i32
      %eq3A_1118 = vector.broadcast %eq3A_1117 : i32 to vector<16xi32>
      %eq3A_1119 = arith.cmpi eq, %iota3A, %eq3A_1118 : vector<16xi32>
      %select_n3A_1120 = arith.select %eq3A_1119, %min3A_879, %select_n3A_750 : vector<16xi1>, vector<16xi32>
      %select_n3A_1121 = arith.select %eq3A_1119, %gather3A_1055, %select_n3A_751 : vector<16xi1>, vector<16xf32>
      %select_n3A_1122 = arith.select %eq3A_1119, %sub3A_1116, %select_n3A_752 : vector<16xi1>, vector<16xf32>
      %get3A_1123 = arith.constant 3 : i32
      %get3A_1124 = arith.index_cast %get3A_1123 : i32 to index
      %get3A_1125 = arith.constant 0 : index
      %get3A_1126 = tpu.vector_load %arg7[%get3A_1124, %get3A_1125] {strides = array<i32>} : memref<4x16xf32, #tpu.memory_space<vmem>>, vector<1x16xf32>,
      %get3A_1127 = vector.shape_cast %get3A_1126 : vector<1x16xf32> to vector<16xf32>
      %get3A_1128 = arith.constant 3 : i32
      %get3A_1129 = arith.index_cast %get3A_1128 : i32 to index
      %get3A_1130 = arith.constant 0 : index
      %get3A_1131 = tpu.vector_load %arg8[%get3A_1129, %get3A_1130] {strides = array<i32>} : memref<4x16xf32, #tpu.memory_space<vmem>>, vector<1x16xf32>,
      %get3A_1132 = vector.shape_cast %get3A_1131 : vector<1x16xf32> to vector<16xf32>
      %add3A_1133 = arith.addf %get3A_1127, %get3A_1132 : vector<16xf32>
      %xor3A_1134 = arith.constant 1 : i32
      %xor3A_1135 = vector.broadcast %xor3A_1134 : i32 to vector<16xi32>
      %xor3A_1136 = arith.xori %iota3A, %xor3A_1135 : vector<16xi32>
      %lt3A_1137 = arith.constant 0 : i32
      %lt3A_1138 = vector.broadcast %lt3A_1137 : i32 to vector<16xi32>
      %lt3A_1139 = arith.cmpi slt, %xor3A_1136, %lt3A_1138 : vector<16xi32>
      %add3A_1140 = arith.constant 16 : i32
      %add3A_1141 = vector.broadcast %add3A_1140 : i32 to vector<16xi32>
      %add3A_1142 = arith.addi %xor3A_1136, %add3A_1141 : vector<16xi32>
      %select_n3A_1143 = arith.select %lt3A_1139, %add3A_1142, %xor3A_1136 : vector<16xi1>, vector<16xi32>
      %broadcast_in_dim3A_1144 = vector.shape_cast %select_n3A_1143 : vector<16xi32> to vector<16x1xi32>
      %gather3A_1145 = vector.shape_cast %broadcast_in_dim3A_1144 : vector<16x1xi32> to vector<16xi32>
      %gather3A_1146 = tpu.dynamic_gather %add3A_1133[%gather3A_1145] in [0] : vector<16xf32>, vector<16xi32> -> vector<16xf32>
      %max3A_1147 = arith.maximumf %add3A_1133, %gather3A_1146 : vector<16xf32>
      %xor3A_1148 = arith.constant 2 : i32
      %xor3A_1149 = vector.broadcast %xor3A_1148 : i32 to vector<16xi32>
      %xor3A_1150 = arith.xori %iota3A, %xor3A_1149 : vector<16xi32>
      %lt3A_1151 = arith.constant 0 : i32
      %lt3A_1152 = vector.broadcast %lt3A_1151 : i32 to vector<16xi32>
      %lt3A_1153 = arith.cmpi slt, %xor3A_1150, %lt3A_1152 : vector<16xi32>
      %add3A_1154 = arith.constant 16 : i32
      %add3A_1155 = vector.broadcast %add3A_1154 : i32 to vector<16xi32>
      %add3A_1156 = arith.addi %xor3A_1150, %add3A_1155 : vector<16xi32>
      %select_n3A_1157 = arith.select %lt3A_1153, %add3A_1156, %xor3A_1150 : vector<16xi1>, vector<16xi32>
      %broadcast_in_dim3A_1158 = vector.shape_cast %select_n3A_1157 : vector<16xi32> to vector<16x1xi32>
      %gather3A_1159 = vector.shape_cast %broadcast_in_dim3A_1158 : vector<16x1xi32> to vector<16xi32>
      %gather3A_1160 = tpu.dynamic_gather %max3A_1147[%gather3A_1159] in [0] : vector<16xf32>, vector<16xi32> -> vector<16xf32>
      %max3A_1161 = arith.maximumf %max3A_1147, %gather3A_1160 : vector<16xf32>
      %xor3A_1162 = arith.constant 4 : i32
      %xor3A_1163 = vector.broadcast %xor3A_1162 : i32 to vector<16xi32>
      %xor3A_1164 = arith.xori %iota3A, %xor3A_1163 : vector<16xi32>
      %lt3A_1165 = arith.constant 0 : i32
      %lt3A_1166 = vector.broadcast %lt3A_1165 : i32 to vector<16xi32>
      %lt3A_1167 = arith.cmpi slt, %xor3A_1164, %lt3A_1166 : vector<16xi32>
      %add3A_1168 = arith.constant 16 : i32
      %add3A_1169 = vector.broadcast %add3A_1168 : i32 to vector<16xi32>
      %add3A_1170 = arith.addi %xor3A_1164, %add3A_1169 : vector<16xi32>
      %select_n3A_1171 = arith.select %lt3A_1167, %add3A_1170, %xor3A_1164 : vector<16xi1>, vector<16xi32>
      %broadcast_in_dim3A_1172 = vector.shape_cast %select_n3A_1171 : vector<16xi32> to vector<16x1xi32>
      %gather3A_1173 = vector.shape_cast %broadcast_in_dim3A_1172 : vector<16x1xi32> to vector<16xi32>
      %gather3A_1174 = tpu.dynamic_gather %max3A_1161[%gather3A_1173] in [0] : vector<16xf32>, vector<16xi32> -> vector<16xf32>
      %max3A_1175 = arith.maximumf %max3A_1161, %gather3A_1174 : vector<16xf32>
      %xor3A_1176 = arith.constant 8 : i32
      %xor3A_1177 = vector.broadcast %xor3A_1176 : i32 to vector<16xi32>
      %xor3A_1178 = arith.xori %iota3A, %xor3A_1177 : vector<16xi32>
      %lt3A_1179 = arith.constant 0 : i32
      %lt3A_1180 = vector.broadcast %lt3A_1179 : i32 to vector<16xi32>
      %lt3A_1181 = arith.cmpi slt, %xor3A_1178, %lt3A_1180 : vector<16xi32>
      %add3A_1182 = arith.constant 16 : i32
      %add3A_1183 = vector.broadcast %add3A_1182 : i32 to vector<16xi32>
      %add3A_1184 = arith.addi %xor3A_1178, %add3A_1183 : vector<16xi32>
      %select_n3A_1185 = arith.select %lt3A_1181, %add3A_1184, %xor3A_1178 : vector<16xi1>, vector<16xi32>
      %broadcast_in_dim3A_1186 = vector.shape_cast %select_n3A_1185 : vector<16xi32> to vector<16x1xi32>
      %gather3A_1187 = vector.shape_cast %broadcast_in_dim3A_1186 : vector<16x1xi32> to vector<16xi32>
      %gather3A_1188 = tpu.dynamic_gather %max3A_1175[%gather3A_1187] in [0] : vector<16xf32>, vector<16xi32> -> vector<16xf32>
      %max3A_1189 = arith.maximumf %max3A_1175, %gather3A_1188 : vector<16xf32>
      %eq3A_1190 = arith.cmpf oeq, %add3A_1133, %max3A_1189 : vector<16xf32>
      %jit3A_1191 = arith.constant 16 : i32
      %broadcast_in_dim3A_1192 = vector.broadcast %jit3A_1191 : i32 to vector<16xi32>
      %select_n3A_1193 = arith.select %eq3A_1190, %iota3A, %broadcast_in_dim3A_1192 : vector<16xi1>, vector<16xi32>
      %xor3A_1194 = arith.constant 1 : i32
      %xor3A_1195 = vector.broadcast %xor3A_1194 : i32 to vector<16xi32>
      %xor3A_1196 = arith.xori %iota3A, %xor3A_1195 : vector<16xi32>
      %lt3A_1197 = arith.constant 0 : i32
      %lt3A_1198 = vector.broadcast %lt3A_1197 : i32 to vector<16xi32>
      %lt3A_1199 = arith.cmpi slt, %xor3A_1196, %lt3A_1198 : vector<16xi32>
      %add3A_1200 = arith.constant 16 : i32
      %add3A_1201 = vector.broadcast %add3A_1200 : i32 to vector<16xi32>
      %add3A_1202 = arith.addi %xor3A_1196, %add3A_1201 : vector<16xi32>
      %select_n3A_1203 = arith.select %lt3A_1199, %add3A_1202, %xor3A_1196 : vector<16xi1>, vector<16xi32>
      %broadcast_in_dim3A_1204 = vector.shape_cast %select_n3A_1203 : vector<16xi32> to vector<16x1xi32>
      %gather3A_1205 = vector.shape_cast %broadcast_in_dim3A_1204 : vector<16x1xi32> to vector<16xi32>
      %gather3A_1206 = tpu.dynamic_gather %select_n3A_1193[%gather3A_1205] in [0] : vector<16xi32>, vector<16xi32> -> vector<16xi32>
      %min3A_1207 = arith.minsi %select_n3A_1193, %gather3A_1206 : vector<16xi32>
      %xor3A_1208 = arith.constant 2 : i32
      %xor3A_1209 = vector.broadcast %xor3A_1208 : i32 to vector<16xi32>
      %xor3A_1210 = arith.xori %iota3A, %xor3A_1209 : vector<16xi32>
      %lt3A_1211 = arith.constant 0 : i32
      %lt3A_1212 = vector.broadcast %lt3A_1211 : i32 to vector<16xi32>
      %lt3A_1213 = arith.cmpi slt, %xor3A_1210, %lt3A_1212 : vector<16xi32>
      %add3A_1214 = arith.constant 16 : i32
      %add3A_1215 = vector.broadcast %add3A_1214 : i32 to vector<16xi32>
      %add3A_1216 = arith.addi %xor3A_1210, %add3A_1215 : vector<16xi32>
      %select_n3A_1217 = arith.select %lt3A_1213, %add3A_1216, %xor3A_1210 : vector<16xi1>, vector<16xi32>
      %broadcast_in_dim3A_1218 = vector.shape_cast %select_n3A_1217 : vector<16xi32> to vector<16x1xi32>
      %gather3A_1219 = vector.shape_cast %broadcast_in_dim3A_1218 : vector<16x1xi32> to vector<16xi32>
      %gather3A_1220 = tpu.dynamic_gather %min3A_1207[%gather3A_1219] in [0] : vector<16xi32>, vector<16xi32> -> vector<16xi32>
      %min3A_1221 = arith.minsi %min3A_1207, %gather3A_1220 : vector<16xi32>
      %xor3A_1222 = arith.constant 4 : i32
      %xor3A_1223 = vector.broadcast %xor3A_1222 : i32 to vector<16xi32>
      %xor3A_1224 = arith.xori %iota3A, %xor3A_1223 : vector<16xi32>
      %lt3A_1225 = arith.constant 0 : i32
      %lt3A_1226 = vector.broadcast %lt3A_1225 : i32 to vector<16xi32>
      %lt3A_1227 = arith.cmpi slt, %xor3A_1224, %lt3A_1226 : vector<16xi32>
      %add3A_1228 = arith.constant 16 : i32
      %add3A_1229 = vector.broadcast %add3A_1228 : i32 to vector<16xi32>
      %add3A_1230 = arith.addi %xor3A_1224, %add3A_1229 : vector<16xi32>
      %select_n3A_1231 = arith.select %lt3A_1227, %add3A_1230, %xor3A_1224 : vector<16xi1>, vector<16xi32>
      %broadcast_in_dim3A_1232 = vector.shape_cast %select_n3A_1231 : vector<16xi32> to vector<16x1xi32>
      %gather3A_1233 = vector.shape_cast %broadcast_in_dim3A_1232 : vector<16x1xi32> to vector<16xi32>
      %gather3A_1234 = tpu.dynamic_gather %min3A_1221[%gather3A_1233] in [0] : vector<16xi32>, vector<16xi32> -> vector<16xi32>
      %min3A_1235 = arith.minsi %min3A_1221, %gather3A_1234 : vector<16xi32>
      %xor3A_1236 = arith.constant 8 : i32
      %xor3A_1237 = vector.broadcast %xor3A_1236 : i32 to vector<16xi32>
      %xor3A_1238 = arith.xori %iota3A, %xor3A_1237 : vector<16xi32>
      %lt3A_1239 = arith.constant 0 : i32
      %lt3A_1240 = vector.broadcast %lt3A_1239 : i32 to vector<16xi32>
      %lt3A_1241 = arith.cmpi slt, %xor3A_1238, %lt3A_1240 : vector<16xi32>
      %add3A_1242 = arith.constant 16 : i32
      %add3A_1243 = vector.broadcast %add3A_1242 : i32 to vector<16xi32>
      %add3A_1244 = arith.addi %xor3A_1238, %add3A_1243 : vector<16xi32>
      %select_n3A_1245 = arith.select %lt3A_1241, %add3A_1244, %xor3A_1238 : vector<16xi1>, vector<16xi32>
      %broadcast_in_dim3A_1246 = vector.shape_cast %select_n3A_1245 : vector<16xi32> to vector<16x1xi32>
      %gather3A_1247 = vector.shape_cast %broadcast_in_dim3A_1246 : vector<16x1xi32> to vector<16xi32>
      %gather3A_1248 = tpu.dynamic_gather %min3A_1235[%gather3A_1247] in [0] : vector<16xi32>, vector<16xi32> -> vector<16xi32>
      %min3A_1249 = arith.minsi %min3A_1235, %gather3A_1248 : vector<16xi32>
      %xor3A_1250 = arith.constant 1 : i32
      %xor3A_1251 = vector.broadcast %xor3A_1250 : i32 to vector<16xi32>
      %xor3A_1252 = arith.xori %iota3A, %xor3A_1251 : vector<16xi32>
      %lt3A_1253 = arith.constant 0 : i32
      %lt3A_1254 = vector.broadcast %lt3A_1253 : i32 to vector<16xi32>
      %lt3A_1255 = arith.cmpi slt, %xor3A_1252, %lt3A_1254 : vector<16xi32>
      %add3A_1256 = arith.constant 16 : i32
      %add3A_1257 = vector.broadcast %add3A_1256 : i32 to vector<16xi32>
      %add3A_1258 = arith.addi %xor3A_1252, %add3A_1257 : vector<16xi32>
      %select_n3A_1259 = arith.select %lt3A_1255, %add3A_1258, %xor3A_1252 : vector<16xi1>, vector<16xi32>
      %broadcast_in_dim3A_1260 = vector.shape_cast %select_n3A_1259 : vector<16xi32> to vector<16x1xi32>
      %gather3A_1261 = vector.shape_cast %broadcast_in_dim3A_1260 : vector<16x1xi32> to vector<16xi32>
      %gather3A_1262 = tpu.dynamic_gather %get3A_1127[%gather3A_1261] in [0] : vector<16xf32>, vector<16xi32> -> vector<16xf32>
      %max3A_1263 = arith.maximumf %get3A_1127, %gather3A_1262 : vector<16xf32>
      %xor3A_1264 = arith.constant 2 : i32
      %xor3A_1265 = vector.broadcast %xor3A_1264 : i32 to vector<16xi32>
      %xor3A_1266 = arith.xori %iota3A, %xor3A_1265 : vector<16xi32>
      %lt3A_1267 = arith.constant 0 : i32
      %lt3A_1268 = vector.broadcast %lt3A_1267 : i32 to vector<16xi32>
      %lt3A_1269 = arith.cmpi slt, %xor3A_1266, %lt3A_1268 : vector<16xi32>
      %add3A_1270 = arith.constant 16 : i32
      %add3A_1271 = vector.broadcast %add3A_1270 : i32 to vector<16xi32>
      %add3A_1272 = arith.addi %xor3A_1266, %add3A_1271 : vector<16xi32>
      %select_n3A_1273 = arith.select %lt3A_1269, %add3A_1272, %xor3A_1266 : vector<16xi1>, vector<16xi32>
      %broadcast_in_dim3A_1274 = vector.shape_cast %select_n3A_1273 : vector<16xi32> to vector<16x1xi32>
      %gather3A_1275 = vector.shape_cast %broadcast_in_dim3A_1274 : vector<16x1xi32> to vector<16xi32>
      %gather3A_1276 = tpu.dynamic_gather %max3A_1263[%gather3A_1275] in [0] : vector<16xf32>, vector<16xi32> -> vector<16xf32>
      %max3A_1277 = arith.maximumf %max3A_1263, %gather3A_1276 : vector<16xf32>
      %xor3A_1278 = arith.constant 4 : i32
      %xor3A_1279 = vector.broadcast %xor3A_1278 : i32 to vector<16xi32>
      %xor3A_1280 = arith.xori %iota3A, %xor3A_1279 : vector<16xi32>
      %lt3A_1281 = arith.constant 0 : i32
      %lt3A_1282 = vector.broadcast %lt3A_1281 : i32 to vector<16xi32>
      %lt3A_1283 = arith.cmpi slt, %xor3A_1280, %lt3A_1282 : vector<16xi32>
      %add3A_1284 = arith.constant 16 : i32
      %add3A_1285 = vector.broadcast %add3A_1284 : i32 to vector<16xi32>
      %add3A_1286 = arith.addi %xor3A_1280, %add3A_1285 : vector<16xi32>
      %select_n3A_1287 = arith.select %lt3A_1283, %add3A_1286, %xor3A_1280 : vector<16xi1>, vector<16xi32>
      %broadcast_in_dim3A_1288 = vector.shape_cast %select_n3A_1287 : vector<16xi32> to vector<16x1xi32>
      %gather3A_1289 = vector.shape_cast %broadcast_in_dim3A_1288 : vector<16x1xi32> to vector<16xi32>
      %gather3A_1290 = tpu.dynamic_gather %max3A_1277[%gather3A_1289] in [0] : vector<16xf32>, vector<16xi32> -> vector<16xf32>
      %max3A_1291 = arith.maximumf %max3A_1277, %gather3A_1290 : vector<16xf32>
      %xor3A_1292 = arith.constant 8 : i32
      %xor3A_1293 = vector.broadcast %xor3A_1292 : i32 to vector<16xi32>
      %xor3A_1294 = arith.xori %iota3A, %xor3A_1293 : vector<16xi32>
      %lt3A_1295 = arith.constant 0 : i32
      %lt3A_1296 = vector.broadcast %lt3A_1295 : i32 to vector<16xi32>
      %lt3A_1297 = arith.cmpi slt, %xor3A_1294, %lt3A_1296 : vector<16xi32>
      %add3A_1298 = arith.constant 16 : i32
      %add3A_1299 = vector.broadcast %add3A_1298 : i32 to vector<16xi32>
      %add3A_1300 = arith.addi %xor3A_1294, %add3A_1299 : vector<16xi32>
      %select_n3A_1301 = arith.select %lt3A_1297, %add3A_1300, %xor3A_1294 : vector<16xi1>, vector<16xi32>
      %broadcast_in_dim3A_1302 = vector.shape_cast %select_n3A_1301 : vector<16xi32> to vector<16x1xi32>
      %gather3A_1303 = vector.shape_cast %broadcast_in_dim3A_1302 : vector<16x1xi32> to vector<16xi32>
      %gather3A_1304 = tpu.dynamic_gather %max3A_1291[%gather3A_1303] in [0] : vector<16xf32>, vector<16xi32> -> vector<16xf32>
      %max3A_1305 = arith.maximumf %max3A_1291, %gather3A_1304 : vector<16xf32>
      %sub3A_1306 = arith.subf %get3A_1127, %max3A_1305 : vector<16xf32>
      %exp3A_1307 = math.exp %sub3A_1306 : vector<16xf32>
      %xor3A_1308 = arith.constant 1 : i32
      %xor3A_1309 = vector.broadcast %xor3A_1308 : i32 to vector<16xi32>
      %xor3A_1310 = arith.xori %iota3A, %xor3A_1309 : vector<16xi32>
      %lt3A_1311 = arith.constant 0 : i32
      %lt3A_1312 = vector.broadcast %lt3A_1311 : i32 to vector<16xi32>
      %lt3A_1313 = arith.cmpi slt, %xor3A_1310, %lt3A_1312 : vector<16xi32>
      %add3A_1314 = arith.constant 16 : i32
      %add3A_1315 = vector.broadcast %add3A_1314 : i32 to vector<16xi32>
      %add3A_1316 = arith.addi %xor3A_1310, %add3A_1315 : vector<16xi32>
      %select_n3A_1317 = arith.select %lt3A_1313, %add3A_1316, %xor3A_1310 : vector<16xi1>, vector<16xi32>
      %broadcast_in_dim3A_1318 = vector.shape_cast %select_n3A_1317 : vector<16xi32> to vector<16x1xi32>
      %gather3A_1319 = vector.shape_cast %broadcast_in_dim3A_1318 : vector<16x1xi32> to vector<16xi32>
      %gather3A_1320 = tpu.dynamic_gather %exp3A_1307[%gather3A_1319] in [0] : vector<16xf32>, vector<16xi32> -> vector<16xf32>
      %add3A_1321 = arith.addf %exp3A_1307, %gather3A_1320 : vector<16xf32>
      %xor3A_1322 = arith.constant 2 : i32
      %xor3A_1323 = vector.broadcast %xor3A_1322 : i32 to vector<16xi32>
      %xor3A_1324 = arith.xori %iota3A, %xor3A_1323 : vector<16xi32>
      %lt3A_1325 = arith.constant 0 : i32
      %lt3A_1326 = vector.broadcast %lt3A_1325 : i32 to vector<16xi32>
      %lt3A_1327 = arith.cmpi slt, %xor3A_1324, %lt3A_1326 : vector<16xi32>
      %add3A_1328 = arith.constant 16 : i32
      %add3A_1329 = vector.broadcast %add3A_1328 : i32 to vector<16xi32>
      %add3A_1330 = arith.addi %xor3A_1324, %add3A_1329 : vector<16xi32>
      %select_n3A_1331 = arith.select %lt3A_1327, %add3A_1330, %xor3A_1324 : vector<16xi1>, vector<16xi32>
      %broadcast_in_dim3A_1332 = vector.shape_cast %select_n3A_1331 : vector<16xi32> to vector<16x1xi32>
      %gather3A_1333 = vector.shape_cast %broadcast_in_dim3A_1332 : vector<16x1xi32> to vector<16xi32>
      %gather3A_1334 = tpu.dynamic_gather %add3A_1321[%gather3A_1333] in [0] : vector<16xf32>, vector<16xi32> -> vector<16xf32>
      %add3A_1335 = arith.addf %add3A_1321, %gather3A_1334 : vector<16xf32>
      %xor3A_1336 = arith.constant 4 : i32
      %xor3A_1337 = vector.broadcast %xor3A_1336 : i32 to vector<16xi32>
      %xor3A_1338 = arith.xori %iota3A, %xor3A_1337 : vector<16xi32>
      %lt3A_1339 = arith.constant 0 : i32
      %lt3A_1340 = vector.broadcast %lt3A_1339 : i32 to vector<16xi32>
      %lt3A_1341 = arith.cmpi slt, %xor3A_1338, %lt3A_1340 : vector<16xi32>
      %add3A_1342 = arith.constant 16 : i32
      %add3A_1343 = vector.broadcast %add3A_1342 : i32 to vector<16xi32>
      %add3A_1344 = arith.addi %xor3A_1338, %add3A_1343 : vector<16xi32>
      %select_n3A_1345 = arith.select %lt3A_1341, %add3A_1344, %xor3A_1338 : vector<16xi1>, vector<16xi32>
      %broadcast_in_dim3A_1346 = vector.shape_cast %select_n3A_1345 : vector<16xi32> to vector<16x1xi32>
      %gather3A_1347 = vector.shape_cast %broadcast_in_dim3A_1346 : vector<16x1xi32> to vector<16xi32>
      %gather3A_1348 = tpu.dynamic_gather %add3A_1335[%gather3A_1347] in [0] : vector<16xf32>, vector<16xi32> -> vector<16xf32>
      %add3A_1349 = arith.addf %add3A_1335, %gather3A_1348 : vector<16xf32>
      %xor3A_1350 = arith.constant 8 : i32
      %xor3A_1351 = vector.broadcast %xor3A_1350 : i32 to vector<16xi32>
      %xor3A_1352 = arith.xori %iota3A, %xor3A_1351 : vector<16xi32>
      %lt3A_1353 = arith.constant 0 : i32
      %lt3A_1354 = vector.broadcast %lt3A_1353 : i32 to vector<16xi32>
      %lt3A_1355 = arith.cmpi slt, %xor3A_1352, %lt3A_1354 : vector<16xi32>
      %add3A_1356 = arith.constant 16 : i32
      %add3A_1357 = vector.broadcast %add3A_1356 : i32 to vector<16xi32>
      %add3A_1358 = arith.addi %xor3A_1352, %add3A_1357 : vector<16xi32>
      %select_n3A_1359 = arith.select %lt3A_1355, %add3A_1358, %xor3A_1352 : vector<16xi1>, vector<16xi32>
      %broadcast_in_dim3A_1360 = vector.shape_cast %select_n3A_1359 : vector<16xi32> to vector<16x1xi32>
      %gather3A_1361 = vector.shape_cast %broadcast_in_dim3A_1360 : vector<16x1xi32> to vector<16xi32>
      %gather3A_1362 = tpu.dynamic_gather %add3A_1349[%gather3A_1361] in [0] : vector<16xf32>, vector<16xi32> -> vector<16xf32>
      %add3A_1363 = arith.addf %add3A_1349, %gather3A_1362 : vector<16xf32>
      %sub3A_1364 = arith.constant 1.000000e+00 : f32
      %sub3A_1365 = vector.broadcast %sub3A_1364 : f32 to vector<16xf32>
      %sub3A_1366 = arith.subf %add3A_1363, %sub3A_1365 : vector<16xf32>
      %mul3A_1367 = arith.constant 0.184839249 : f32
      %mul3A_1368 = vector.broadcast %mul3A_1367 : f32 to vector<16xf32>
      %mul3A_1369 = arith.mulf %mul3A_1368, %sub3A_1366 : vector<16xf32>
      %sub3A_1370 = arith.constant 0.000000e+00 : f32
      %sub3A_1371 = vector.broadcast %sub3A_1370 : f32 to vector<16xf32>
      %sub3A_1372 = arith.subf %sub3A_1371, %mul3A_1369 : vector<16xf32>
      %exp3A_1373 = math.exp %sub3A_1372 : vector<16xf32>
      %mul3A_1374 = arith.mulf %add3A_1363, %exp3A_1373 : vector<16xf32>
      %sub3A_1375 = arith.constant 1.000000e+00 : f32
      %sub3A_1376 = vector.broadcast %sub3A_1375 : f32 to vector<16xf32>
      %sub3A_1377 = arith.subf %mul3A_1374, %sub3A_1376 : vector<16xf32>
      %add3A_1378 = arith.addf %mul3A_1369, %sub3A_1377 : vector<16xf32>
      %sub3A_1379 = arith.constant 0.000000e+00 : f32
      %sub3A_1380 = vector.broadcast %sub3A_1379 : f32 to vector<16xf32>
      %sub3A_1381 = arith.subf %sub3A_1380, %add3A_1378 : vector<16xf32>
      %exp3A_1382 = math.exp %sub3A_1381 : vector<16xf32>
      %mul3A_1383 = arith.mulf %add3A_1363, %exp3A_1382 : vector<16xf32>
      %sub3A_1384 = arith.constant 1.000000e+00 : f32
      %sub3A_1385 = vector.broadcast %sub3A_1384 : f32 to vector<16xf32>
      %sub3A_1386 = arith.subf %mul3A_1383, %sub3A_1385 : vector<16xf32>
      %add3A_1387 = arith.addf %add3A_1378, %sub3A_1386 : vector<16xf32>
      %sub3A_1388 = arith.constant 0.000000e+00 : f32
      %sub3A_1389 = vector.broadcast %sub3A_1388 : f32 to vector<16xf32>
      %sub3A_1390 = arith.subf %sub3A_1389, %add3A_1387 : vector<16xf32>
      %exp3A_1391 = math.exp %sub3A_1390 : vector<16xf32>
      %mul3A_1392 = arith.mulf %add3A_1363, %exp3A_1391 : vector<16xf32>
      %sub3A_1393 = arith.constant 1.000000e+00 : f32
      %sub3A_1394 = vector.broadcast %sub3A_1393 : f32 to vector<16xf32>
      %sub3A_1395 = arith.subf %mul3A_1392, %sub3A_1394 : vector<16xf32>
      %add3A_1396 = arith.addf %add3A_1387, %sub3A_1395 : vector<16xf32>
      %sub3A_1397 = arith.constant 0.000000e+00 : f32
      %sub3A_1398 = vector.broadcast %sub3A_1397 : f32 to vector<16xf32>
      %sub3A_1399 = arith.subf %sub3A_1398, %add3A_1396 : vector<16xf32>
      %exp3A_1400 = math.exp %sub3A_1399 : vector<16xf32>
      %mul3A_1401 = arith.mulf %add3A_1363, %exp3A_1400 : vector<16xf32>
      %sub3A_1402 = arith.constant 1.000000e+00 : f32
      %sub3A_1403 = vector.broadcast %sub3A_1402 : f32 to vector<16xf32>
      %sub3A_1404 = arith.subf %mul3A_1401, %sub3A_1403 : vector<16xf32>
      %add3A_1405 = arith.addf %add3A_1396, %sub3A_1404 : vector<16xf32>
      %sub3A_1406 = arith.constant 0.000000e+00 : f32
      %sub3A_1407 = vector.broadcast %sub3A_1406 : f32 to vector<16xf32>
      %sub3A_1408 = arith.subf %sub3A_1407, %add3A_1405 : vector<16xf32>
      %exp3A_1409 = math.exp %sub3A_1408 : vector<16xf32>
      %mul3A_1410 = arith.mulf %add3A_1363, %exp3A_1409 : vector<16xf32>
      %sub3A_1411 = arith.constant 1.000000e+00 : f32
      %sub3A_1412 = vector.broadcast %sub3A_1411 : f32 to vector<16xf32>
      %sub3A_1413 = arith.subf %mul3A_1410, %sub3A_1412 : vector<16xf32>
      %add3A_1414 = arith.addf %add3A_1405, %sub3A_1413 : vector<16xf32>
      %sub3A_1415 = arith.subf %sub3A_1306, %add3A_1414 : vector<16xf32>
      %lt3A_1416 = arith.constant 0 : i32
      %lt3A_1417 = vector.broadcast %lt3A_1416 : i32 to vector<16xi32>
      %lt3A_1418 = arith.cmpi slt, %min3A_1249, %lt3A_1417 : vector<16xi32>
      %add3A_1419 = arith.constant 16 : i32
      %add3A_1420 = vector.broadcast %add3A_1419 : i32 to vector<16xi32>
      %add3A_1421 = arith.addi %min3A_1249, %add3A_1420 : vector<16xi32>
      %select_n3A_1422 = arith.select %lt3A_1418, %add3A_1421, %min3A_1249 : vector<16xi1>, vector<16xi32>
      %broadcast_in_dim3A_1423 = vector.shape_cast %select_n3A_1422 : vector<16xi32> to vector<16x1xi32>
      %gather3A_1424 = vector.shape_cast %broadcast_in_dim3A_1423 : vector<16x1xi32> to vector<16xi32>
      %gather3A_1425 = tpu.dynamic_gather %sub3A_1415[%gather3A_1424] in [0] : vector<16xf32>, vector<16xi32> -> vector<16xf32>
      %div3A_1426 = arith.divf %exp3A_1307, %add3A_1363 : vector<16xf32>
      %mul3A_1427 = arith.mulf %div3A_1426, %sub3A_1415 : vector<16xf32>
      %xor3A_1428 = arith.constant 1 : i32
      %xor3A_1429 = vector.broadcast %xor3A_1428 : i32 to vector<16xi32>
      %xor3A_1430 = arith.xori %iota3A, %xor3A_1429 : vector<16xi32>
      %lt3A_1431 = arith.constant 0 : i32
      %lt3A_1432 = vector.broadcast %lt3A_1431 : i32 to vector<16xi32>
      %lt3A_1433 = arith.cmpi slt, %xor3A_1430, %lt3A_1432 : vector<16xi32>
      %add3A_1434 = arith.constant 16 : i32
      %add3A_1435 = vector.broadcast %add3A_1434 : i32 to vector<16xi32>
      %add3A_1436 = arith.addi %xor3A_1430, %add3A_1435 : vector<16xi32>
      %select_n3A_1437 = arith.select %lt3A_1433, %add3A_1436, %xor3A_1430 : vector<16xi1>, vector<16xi32>
      %broadcast_in_dim3A_1438 = vector.shape_cast %select_n3A_1437 : vector<16xi32> to vector<16x1xi32>
      %gather3A_1439 = vector.shape_cast %broadcast_in_dim3A_1438 : vector<16x1xi32> to vector<16xi32>
      %gather3A_1440 = tpu.dynamic_gather %mul3A_1427[%gather3A_1439] in [0] : vector<16xf32>, vector<16xi32> -> vector<16xf32>
      %add3A_1441 = arith.addf %mul3A_1427, %gather3A_1440 : vector<16xf32>
      %xor3A_1442 = arith.constant 2 : i32
      %xor3A_1443 = vector.broadcast %xor3A_1442 : i32 to vector<16xi32>
      %xor3A_1444 = arith.xori %iota3A, %xor3A_1443 : vector<16xi32>
      %lt3A_1445 = arith.constant 0 : i32
      %lt3A_1446 = vector.broadcast %lt3A_1445 : i32 to vector<16xi32>
      %lt3A_1447 = arith.cmpi slt, %xor3A_1444, %lt3A_1446 : vector<16xi32>
      %add3A_1448 = arith.constant 16 : i32
      %add3A_1449 = vector.broadcast %add3A_1448 : i32 to vector<16xi32>
      %add3A_1450 = arith.addi %xor3A_1444, %add3A_1449 : vector<16xi32>
      %select_n3A_1451 = arith.select %lt3A_1447, %add3A_1450, %xor3A_1444 : vector<16xi1>, vector<16xi32>
      %broadcast_in_dim3A_1452 = vector.shape_cast %select_n3A_1451 : vector<16xi32> to vector<16x1xi32>
      %gather3A_1453 = vector.shape_cast %broadcast_in_dim3A_1452 : vector<16x1xi32> to vector<16xi32>
      %gather3A_1454 = tpu.dynamic_gather %add3A_1441[%gather3A_1453] in [0] : vector<16xf32>, vector<16xi32> -> vector<16xf32>
      %add3A_1455 = arith.addf %add3A_1441, %gather3A_1454 : vector<16xf32>
      %xor3A_1456 = arith.constant 4 : i32
      %xor3A_1457 = vector.broadcast %xor3A_1456 : i32 to vector<16xi32>
      %xor3A_1458 = arith.xori %iota3A, %xor3A_1457 : vector<16xi32>
      %lt3A_1459 = arith.constant 0 : i32
      %lt3A_1460 = vector.broadcast %lt3A_1459 : i32 to vector<16xi32>
      %lt3A_1461 = arith.cmpi slt, %xor3A_1458, %lt3A_1460 : vector<16xi32>
      %add3A_1462 = arith.constant 16 : i32
      %add3A_1463 = vector.broadcast %add3A_1462 : i32 to vector<16xi32>
      %add3A_1464 = arith.addi %xor3A_1458, %add3A_1463 : vector<16xi32>
      %select_n3A_1465 = arith.select %lt3A_1461, %add3A_1464, %xor3A_1458 : vector<16xi1>, vector<16xi32>
      %broadcast_in_dim3A_1466 = vector.shape_cast %select_n3A_1465 : vector<16xi32> to vector<16x1xi32>
      %gather3A_1467 = vector.shape_cast %broadcast_in_dim3A_1466 : vector<16x1xi32> to vector<16xi32>
      %gather3A_1468 = tpu.dynamic_gather %add3A_1455[%gather3A_1467] in [0] : vector<16xf32>, vector<16xi32> -> vector<16xf32>
      %add3A_1469 = arith.addf %add3A_1455, %gather3A_1468 : vector<16xf32>
      %xor3A_1470 = arith.constant 8 : i32
      %xor3A_1471 = vector.broadcast %xor3A_1470 : i32 to vector<16xi32>
      %xor3A_1472 = arith.xori %iota3A, %xor3A_1471 : vector<16xi32>
      %lt3A_1473 = arith.constant 0 : i32
      %lt3A_1474 = vector.broadcast %lt3A_1473 : i32 to vector<16xi32>
      %lt3A_1475 = arith.cmpi slt, %xor3A_1472, %lt3A_1474 : vector<16xi32>
      %add3A_1476 = arith.constant 16 : i32
      %add3A_1477 = vector.broadcast %add3A_1476 : i32 to vector<16xi32>
      %add3A_1478 = arith.addi %xor3A_1472, %add3A_1477 : vector<16xi32>
      %select_n3A_1479 = arith.select %lt3A_1475, %add3A_1478, %xor3A_1472 : vector<16xi1>, vector<16xi32>
      %broadcast_in_dim3A_1480 = vector.shape_cast %select_n3A_1479 : vector<16xi32> to vector<16x1xi32>
      %gather3A_1481 = vector.shape_cast %broadcast_in_dim3A_1480 : vector<16x1xi32> to vector<16xi32>
      %gather3A_1482 = tpu.dynamic_gather %add3A_1469[%gather3A_1481] in [0] : vector<16xf32>, vector<16xi32> -> vector<16xf32>
      %add3A_1483 = arith.addf %add3A_1469, %gather3A_1482 : vector<16xf32>
      %sub3A_1484 = arith.constant 0.000000e+00 : f32
      %sub3A_1485 = vector.broadcast %sub3A_1484 : f32 to vector<16xf32>
      %sub3A_1486 = arith.subf %sub3A_1485, %add3A_1483 : vector<16xf32>
      %eq3A_1487 = arith.constant 3 : i32
      %eq3A_1488 = vector.broadcast %eq3A_1487 : i32 to vector<16xi32>
      %eq3A_1489 = arith.cmpi eq, %iota3A, %eq3A_1488 : vector<16xi32>
      %select_n3A_1490 = arith.select %eq3A_1489, %min3A_1249, %select_n3A_1120 : vector<16xi1>, vector<16xi32>
      %select_n3A_1491 = arith.select %eq3A_1489, %gather3A_1425, %select_n3A_1121 : vector<16xi1>, vector<16xf32>
      %select_n3A_1492 = arith.select %eq3A_1489, %sub3A_1486, %select_n3A_1122 : vector<16xi1>, vector<16xf32>
      %swap3A = arith.constant 0 : index
      %swap3A_1493 = tpu.vector_load %arg9[%swap3A] {strides = array<i32>} : memref<16xi32, #tpu.memory_space<vmem>>, vector<16xi32>,
      %swap3A_1494 = vector.shape_cast %swap3A_1493 : vector<16xi32> to vector<16xi32>
      %swap3A_1495 = vector.shape_cast %select_n3A_1490 : vector<16xi32> to vector<16xi32>
      tpu.vector_store %arg9[%swap3A], %swap3A_1495 {strides = array<i32>} : memref<16xi32, #tpu.memory_space<vmem>>, vector<16xi32>,
      %swap3A_1496 = arith.constant 0 : index
      %swap3A_1497 = tpu.vector_load %arg10[%swap3A_1496] {strides = array<i32>} : memref<16xf32, #tpu.memory_space<vmem>>, vector<16xf32>,
      %swap3A_1498 = vector.shape_cast %swap3A_1497 : vector<16xf32> to vector<16xf32>
      %swap3A_1499 = vector.shape_cast %select_n3A_1491 : vector<16xf32> to vector<16xf32>
      tpu.vector_store %arg10[%swap3A_1496], %swap3A_1499 {strides = array<i32>} : memref<16xf32, #tpu.memory_space<vmem>>, vector<16xf32>,
      %swap3A_1500 = arith.constant 0 : index
      %swap3A_1501 = tpu.vector_load %arg11[%swap3A_1500] {strides = array<i32>} : memref<16xf32, #tpu.memory_space<vmem>>, vector<16xf32>,
      %swap3A_1502 = vector.shape_cast %swap3A_1501 : vector<16xf32> to vector<16xf32>
      %swap3A_1503 = vector.shape_cast %select_n3A_1492 : vector<16xf32> to vector<16xf32>
      tpu.vector_store %arg11[%swap3A_1500], %swap3A_1503 {strides = array<i32>} : memref<16xf32, #tpu.memory_space<vmem>>, vector<16xf32>,
      %dma_start3A_1504 = arith.constant 0 : i32
      %dma_start3A_1505 = tpu.memref_slice %arg4[%add3A, %dma_start3A_1504] : memref<25x16xi32, #tpu.memory_space<hbm>> -> memref<1x16xi32, #tpu.memory_space<hbm>>
      %dma_start3A_1506 = tpu.memref_squeeze %dma_start3A_1505 : memref<1x16xi32, #tpu.memory_space<hbm>> -> memref<16xi32, #tpu.memory_space<hbm>>
      %dma_start3A_1507 = arith.constant 0 : i32
      %dma_start3A_1508 = tpu.memref_slice %arg4[%add3A, %dma_start3A_1507] : memref<25x16xi32, #tpu.memory_space<hbm>> -> memref<1x16xi32, #tpu.memory_space<hbm>>
      %dma_start3A_1509 = tpu.memref_squeeze %dma_start3A_1508 : memref<1x16xi32, #tpu.memory_space<hbm>> -> memref<16xi32, #tpu.memory_space<hbm>>
      tpu.enqueue_dma source(%arg9 : memref<16xi32, #tpu.memory_space<vmem>>) target(%dma_start3A_1509 : memref<16xi32, #tpu.memory_space<hbm>>) target_semaphore(%arg12 : memref<!tpu.dma_semaphore, #tpu.memory_space<semaphore_mem>>)
      %dma_start3A_1510 = arith.constant 0 : i32
      %dma_start3A_1511 = tpu.memref_slice %arg5[%add3A, %dma_start3A_1510] : memref<25x16xf32, #tpu.memory_space<hbm>> -> memref<1x16xf32, #tpu.memory_space<hbm>>
      %dma_start3A_1512 = tpu.memref_squeeze %dma_start3A_1511 : memref<1x16xf32, #tpu.memory_space<hbm>> -> memref<16xf32, #tpu.memory_space<hbm>>
      %dma_start3A_1513 = arith.constant 0 : i32
      %dma_start3A_1514 = tpu.memref_slice %arg5[%add3A, %dma_start3A_1513] : memref<25x16xf32, #tpu.memory_space<hbm>> -> memref<1x16xf32, #tpu.memory_space<hbm>>
      %dma_start3A_1515 = tpu.memref_squeeze %dma_start3A_1514 : memref<1x16xf32, #tpu.memory_space<hbm>> -> memref<16xf32, #tpu.memory_space<hbm>>
      tpu.enqueue_dma source(%arg10 : memref<16xf32, #tpu.memory_space<vmem>>) target(%dma_start3A_1515 : memref<16xf32, #tpu.memory_space<hbm>>) target_semaphore(%arg12 : memref<!tpu.dma_semaphore, #tpu.memory_space<semaphore_mem>>)
      %dma_start3A_1516 = arith.constant 0 : i32
      %dma_start3A_1517 = tpu.memref_slice %arg6[%add3A, %dma_start3A_1516] : memref<25x16xf32, #tpu.memory_space<hbm>> -> memref<1x16xf32, #tpu.memory_space<hbm>>
      %dma_start3A_1518 = tpu.memref_squeeze %dma_start3A_1517 : memref<1x16xf32, #tpu.memory_space<hbm>> -> memref<16xf32, #tpu.memory_space<hbm>>
      %dma_start3A_1519 = arith.constant 0 : i32
      %dma_start3A_1520 = tpu.memref_slice %arg6[%add3A, %dma_start3A_1519] : memref<25x16xf32, #tpu.memory_space<hbm>> -> memref<1x16xf32, #tpu.memory_space<hbm>>
      %dma_start3A_1521 = tpu.memref_squeeze %dma_start3A_1520 : memref<1x16xf32, #tpu.memory_space<hbm>> -> memref<16xf32, #tpu.memory_space<hbm>>
      tpu.enqueue_dma source(%arg11 : memref<16xf32, #tpu.memory_space<vmem>>) target(%dma_start3A_1521 : memref<16xf32, #tpu.memory_space<hbm>>) target_semaphore(%arg12 : memref<!tpu.dma_semaphore, #tpu.memory_space<semaphore_mem>>)
      %dma_wait3A_1522 = arith.constant 0 : i32
      %dma_wait3A_1523 = tpu.memref_slice %arg4[%add3A, %dma_wait3A_1522] : memref<25x16xi32, #tpu.memory_space<hbm>> -> memref<1x16xi32, #tpu.memory_space<hbm>>
      %dma_wait3A_1524 = tpu.memref_squeeze %dma_wait3A_1523 : memref<1x16xi32, #tpu.memory_space<hbm>> -> memref<16xi32, #tpu.memory_space<hbm>>
      %dma_wait3A_1525 = arith.constant 0 : i32
      %dma_wait3A_1526 = tpu.memref_slice %arg4[%add3A, %dma_wait3A_1525] : memref<25x16xi32, #tpu.memory_space<hbm>> -> memref<1x16xi32, #tpu.memory_space<hbm>>
      %dma_wait3A_1527 = tpu.memref_squeeze %dma_wait3A_1526 : memref<1x16xi32, #tpu.memory_space<hbm>> -> memref<16xi32, #tpu.memory_space<hbm>>
      tpu.wait_dma2 semaphore(%arg12 : memref<!tpu.dma_semaphore, #tpu.memory_space<semaphore_mem>>) src(%arg9 : memref<16xi32, #tpu.memory_space<vmem>>) dst(%dma_wait3A_1527 : memref<16xi32, #tpu.memory_space<hbm>>)
      %dma_wait3A_1528 = arith.constant 0 : i32
      %dma_wait3A_1529 = tpu.memref_slice %arg5[%add3A, %dma_wait3A_1528] : memref<25x16xf32, #tpu.memory_space<hbm>> -> memref<1x16xf32, #tpu.memory_space<hbm>>
      %dma_wait3A_1530 = tpu.memref_squeeze %dma_wait3A_1529 : memref<1x16xf32, #tpu.memory_space<hbm>> -> memref<16xf32, #tpu.memory_space<hbm>>
      %dma_wait3A_1531 = arith.constant 0 : i32
      %dma_wait3A_1532 = tpu.memref_slice %arg5[%add3A, %dma_wait3A_1531] : memref<25x16xf32, #tpu.memory_space<hbm>> -> memref<1x16xf32, #tpu.memory_space<hbm>>
      %dma_wait3A_1533 = tpu.memref_squeeze %dma_wait3A_1532 : memref<1x16xf32, #tpu.memory_space<hbm>> -> memref<16xf32, #tpu.memory_space<hbm>>
      tpu.wait_dma2 semaphore(%arg12 : memref<!tpu.dma_semaphore, #tpu.memory_space<semaphore_mem>>) src(%arg10 : memref<16xf32, #tpu.memory_space<vmem>>) dst(%dma_wait3A_1533 : memref<16xf32, #tpu.memory_space<hbm>>)
      %dma_wait3A_1534 = arith.constant 0 : i32
      %dma_wait3A_1535 = tpu.memref_slice %arg6[%add3A, %dma_wait3A_1534] : memref<25x16xf32, #tpu.memory_space<hbm>> -> memref<1x16xf32, #tpu.memory_space<hbm>>
      %dma_wait3A_1536 = tpu.memref_squeeze %dma_wait3A_1535 : memref<1x16xf32, #tpu.memory_space<hbm>> -> memref<16xf32, #tpu.memory_space<hbm>>
      %dma_wait3A_1537 = arith.constant 0 : i32
      %dma_wait3A_1538 = tpu.memref_slice %arg6[%add3A, %dma_wait3A_1537] : memref<25x16xf32, #tpu.memory_space<hbm>> -> memref<1x16xf32, #tpu.memory_space<hbm>>
      %dma_wait3A_1539 = tpu.memref_squeeze %dma_wait3A_1538 : memref<1x16xf32, #tpu.memory_space<hbm>> -> memref<16xf32, #tpu.memory_space<hbm>>
      tpu.wait_dma2 semaphore(%arg12 : memref<!tpu.dma_semaphore, #tpu.memory_space<semaphore_mem>>) src(%arg11 : memref<16xf32, #tpu.memory_space<vmem>>) dst(%dma_wait3A_1539 : memref<16xf32, #tpu.memory_space<hbm>>)
    } else {
    }
    return
  }
}

</mosaic_0001>

<sc_bundles>
// kernel: kernel.3.cloned.1.call-start
scs
__scs_entry_jumppad:
0x0: {  	(pc) =	sbr.rel $0x88, $3  }
0x1: {  	(tag) =	ssettag $0x0;
	lr =	simm.s32 $0x1  }
0x2: {  	[smem:$0x3FA0] =	sst lr;
	_ =	strace $0xD0000000  }
0x3: {  	_ = 	snop  }
0x4: {  	_ = 	snop  }
0x5: {  	_ = 	snop  }
0x6: {  	_ = 	snop  }
0x7: {  	_ = 	snop  }
__scs_overlays_trampoline_lowered:
0x8: {  	[smem:$0x3FAF] =	sst s0  }
0x9: {  	[smem:$0x3FB0] =	sst s1  }
0xa: {  	[smem:$0x3FB1] =	sst s2  }
0xb: {  	[smem:$0x3FB2] =	sst s3  }
0xc: {  	[smem:$0x3FB3] =	sst s4  }
0xd: {  	[smem:$0x3FB4] =	sst s5  }
0xe: {  	[smem:$0x3FB5] =	sst s6  }
0xf: {  	[smem:$0x3FB6] =	sst s7  }
0x10: {  	[smem:$0x3FB7] =	sst s8  }
0x11: {  	[smem:$0x3FB8] =	sst s9;
	s0 =	simm.s32 @!p0 $0x0  }
0x12: {  	s1 =	sld [smem:$0x3F9E];
	s0 =	simm.s32 @p0 $0x1  }
0x13: {  	[smem:$0x3FB9] =	sst s0;
	s0 =	simm.s32 @!p1 $0x0  }
0x14: {  	s2 =	sld [smem:$0x3F9D];
	s0 =	simm.s32 @p1 $0x1  }
0x15: {  	[smem:$0x3FBA] =	sst s0;
	s0 =	simm.s32 @!p2 $0x0  }
0x16: {  	s3 =	sld [smem:$0x3FDB];
	s0 =	simm.s32 @p2 $0x1  }
0x17: {  	s4 =	simm.s32 $0x1BF5;
	[smem:$0x3FBC] =	sst s0  }
0x18: {  	s0 =	sld [smem:$0x3F9F];
	_ =	swait.ge [sflag:s4], $0x0  }
0x19: {  	s7 =	sld [smem:$0x3FA0]  }
0x1a: {  	s8 =	sadd.s32 $0xFFFFE003, lr  }
0x1b: {  	s9 =	sadd.s32 $0xFFFFFEF7, lr;
	s5 =	simm.s32 $0xFFFFFFFF;
	p2 =	slt.u32 s8, $0xFFFFF086  }
0x1c: {  	p1 =	slt.u32 s9, $0xF7A;
	s5 =	simm.s32 @!p2 $0x0  }
0x1d: {  	s5 =	simm.s32 @p1 $0x1;
	p0 =	seq.s32 s7, s2  }
0x1e: {  	s7 =	smul.u32 @!p0 $0xF7A, s2;
	p2 =	seq.s32 @!p0 s5, $0x0  }
0x1f: {  	s9 =	smul.u32 $0xF7A, s1;
	s8 =	simm.s32 @!p0 $0x1BF5;
	p2 =	por !p2, p0  }
0x20: {  	[sflag:s8] =	ssyncset.s32 @!p0 $0xFFFFF086;
	s6 =	sadd.s32 @!p0 s3, s7;
	s7 =	simm.s32 @!p0 $0x108  }
0x21: {  	s3 =	sadd.s32 s3, s9;
	s6 =	sadd.s32 @!p0 $0x88, s6;
	s7 =	simm.s32 @p2 $0x1082  }
0x22: {  	[simem:s7], [sflag:s8] =	dma.local @!p0 [hbm:s6], $0xF7A  }
0x23: {  	s9 =	sor.u32 $0xD0000000, s2;
	s6 =	simm.s32 $0x108;
	_ =	swait.ge @!p0 [sflag:s8], $0x0  }
0x24: {  	s3 =	sadd.s32 $0x88, s3;
	s6 =	simm.s32 @!p1 $0x1082;
	[sflag:s4] =	ssyncset.s32 $0xFFFFF086  }
0x25: {  	[simem:s6], [sflag:s4] =	dma.local [hbm:s3], $0xF7A  }
0x26: {  	[smem:$0x3FA0] =	sst s1;
	(tag) =	ssettag s2;
	_ =	strace s9  }
0x27: {  	s1 =	sld [smem:$0x3FB0]  }
0x28: {  	s2 =	sld [smem:$0x3FB1]  }
0x29: {  	s4 =	sld [smem:$0x3FB3]  }
0x2a: {  	p0 =	seq.s32 s5, $0x0;
	s5 =	sld [smem:$0x3FB4]  }
0x2b: {  	s6 =	sld [smem:$0x3FB5]  }
0x2c: {  	s7 =	sld [smem:$0x3FB6]  }
0x2d: {  	s3 =	simm.s32 $0x108;
	s8 =	sld [smem:$0x3FB7]  }
0x2e: {  	s3 =	simm.s32 @!p0 $0x1082;
	s9 =	sld [smem:$0x3FB8]  }
0x2f: {  	lr =	sadd.s32 s0, s3;
	s0 =	sld [smem:$0x3FAF]  }
0x30: {  	s3 =	sld [smem:$0x3FB2]  }
0x31: {  	[smem:$0x3FBB] =	sst s10  }
0x32: {  	s10 =	sld [smem:$0x3FB9];
	_ =	sdelay $0x3  }
0x33: {  	p0 =	seq.s32 s10, $0x1;
	s10 =	sld [smem:$0x3FBB];
	_ =	sdelay $0x3  }
0x34: {  	[smem:$0x3FBB] =	sst s10  }
0x35: {  	s10 =	sld [smem:$0x3FBA];
	_ =	sdelay $0x3  }
0x36: {  	p1 =	seq.s32 s10, $0x1;
	s10 =	sld [smem:$0x3FBB];
	_ =	sdelay $0x3  }
0x37: {  	[smem:$0x3FBB] =	sst s10  }
0x38: {  	s10 =	sld [smem:$0x3FBC]  }
0x39: {  	_ = 	snop;
	(pc) =	sbr.ind lr, $3  }
0x3a: {  	_ = 	snop  }
0x3b: {  	_ = 	snop  }
0x3c: {  	p2 =	seq.s32 s10, $0x1;
	s10 =	sld [smem:$0x3FBB]  }
0x3d: {  	_ =	shalt  }
0x3e: {  	_ =	shalt  }
0x3f: {  	_ =	shalt  }
0x40: {  	_ =	shalt  }
0x41: {  	_ =	shalt  }
0x42: {  	_ =	shalt  }
0x43: {  	_ =	shalt  }
0x44: {  	_ =	shalt  }
0x45: {  	_ =	shalt  }
0x46: {  	_ =	shalt  }
0x47: {  	_ =	shalt  }
0x48: {  	_ =	shalt  }
0x49: {  	_ =	shalt  }
0x4a: {  	_ =	shalt  }
0x4b: {  	_ =	shalt  }
0x4c: {  	_ =	shalt  }
0x4d: {  	_ =	shalt  }
0x4e: {  	_ =	shalt  }
0x4f: {  	_ =	shalt  }
0x50: {  	_ =	shalt  }
0x51: {  	_ =	shalt  }
0x52: {  	_ =	shalt  }
0x53: {  	_ =	shalt  }
0x54: {  	_ =	shalt  }
0x55: {  	_ =	shalt  }
0x56: {  	_ =	shalt  }
0x57: {  	_ =	shalt  }
0x58: {  	_ =	shalt  }
0x59: {  	_ =	shalt  }
0x5a: {  	_ =	shalt  }
0x5b: {  	_ =	shalt  }
0x5c: {  	_ =	shalt  }
0x5d: {  	_ =	shalt  }
0x5e: {  	_ =	shalt  }
0x5f: {  	_ =	shalt  }
0x60: {  	_ =	shalt  }
0x61: {  	_ =	shalt  }
0x62: {  	_ =	shalt  }
0x63: {  	_ =	shalt  }
0x64: {  	_ =	shalt  }
0x65: {  	_ =	shalt  }
0x66: {  	_ =	shalt  }
0x67: {  	_ =	shalt  }
0x68: {  	_ =	shalt  }
0x69: {  	_ =	shalt  }
0x6a: {  	_ =	shalt  }
0x6b: {  	_ =	shalt  }
0x6c: {  	_ =	shalt  }
0x6d: {  	_ =	shalt  }
0x6e: {  	_ =	shalt  }
0x6f: {  	_ =	shalt  }
0x70: {  	_ =	shalt  }
0x71: {  	_ =	shalt  }
0x72: {  	_ =	shalt  }
0x73: {  	_ =	shalt  }
0x74: {  	_ =	shalt  }
0x75: {  	_ =	shalt  }
0x76: {  	_ =	shalt  }
0x77: {  	_ =	shalt  }
0x78: {  	_ =	shalt  }
0x79: {  	_ =	shalt  }
0x7a: {  	_ =	shalt  }
0x7b: {  	_ =	shalt  }
0x7c: {  	_ =	shalt  }
0x7d: {  	_ =	shalt  }
0x7e: {  	_ =	shalt  }
0x7f: {  	_ =	shalt  }
0x80: {  	_ =	shalt  }
0x81: {  	_ =	shalt  }
0x82: {  	_ =	shalt  }
0x83: {  	_ =	shalt  }
0x84: {  	_ =	shalt  }
0x85: {  	_ =	shalt  }
0x86: {  	_ =	shalt  }
0x87: {  	_ =	shalt  }
.Lfunc_end0:
.L_simem_size_0:
called_computation_lowered:
.L_overlay_start_0:
0x88: {  	s2 =	sld [smem:$0x3FD9]  }
0x89: {  	s3 =	sld [smem:$0x3FFE];
	_ =	sdelay $0x1  }
0x8a: {  	s1 =	srdreg.scid  }
0x8b: {  	s0 =	sand.u32 $0x1, s1  }
0x8c: {  	s16 =	sshll.u32 s0, $0xA;
	s2 =	sadd.s32 s3, s2  }
0x8d: {  	s2 =	sadd.s32 s2, s16  }
0x8e: {  	[smem:$0x3FC7] =	sst s2  }
0x8f: {  	_ = 	snop  }
0x90: {  	(tm) =	ssettm $0x1  }
0x91: {  	s17 =	sld [smem:$0x3FFB];
	_ =	sdelay $0x3  }
0x92: {  	_ =	strace s17  }
0x93: {  	s2 =	sld [smem:$0x3FFC];
	_ =	sdelay $0x3  }
0x94: {  	_ =	strace s2  }
0x95: {  	s2 =	sld [smem:$0x3FFD];
	_ =	sdelay $0x3  }
0x96: {  	_ =	strace s2  }
0x97: {  	_ =	strace $0x8FFFFFFF  }
0x98: {  	s18 =	sld [smem:$0x3FDB];
	_ =	sdelay $0x1  }
0x99: {  	s19 =	simm.s32 $_scs_section_size  }
0x9a: {  	s4 =	simm.s32 $_size__tile_overlayer_lowered;
	s5 =	simm.s32 $_tile_overlayer_lowered  }
0x9b: {  	s22 =	simm.s32 $0x1BFF;
	s21 =	sshll.u32 s5, $0x1;
	s2 =	sadd.s32 s19, s18  }
0x9c: {  	s6 =	simm.s32 $0x0;
	s20 =	sshll.u32 s4, $0x1;
	s4 =	sadd.s32 s21, s2  }
0x9d: {  	[timem:s6], [sflag:s22] =	dma.local [hbm:s4], s20  }
0x9e: {  	_ =	swait.ge [sflag:s22], s20  }
0x9f: {  	s3 =	ssub.s32 $0x0, s20;
	[sflag:s22] =	ssyncset.done $0x0  }
0xa0: {  	[sflag:s22] =	ssyncadd.s32 s3;
	_ =	sdelay $0x1  }
0xa1: {  	s23 =	simm.s32 $0x1B8B  }
0xa2: {  	_ =	swait.ge [sflag:s23], $0x1  }
0xa3: {  	[sflag:s23] =	ssyncset.done $0x0  }
0xa4: {  	s25 =	simm.s32 $0x1B8E;
	s24 =	sld [smem:$0x3FFE];
	[sflag:s23] =	ssyncadd.s32 $0xFFFFFFFF  }
0xa5: {  	s26 =	simm.s32 $execute0_lowered;
	[smem:$0x3FD2] =	sst s25  }
0xa6: {  	s4 =	sshll.u32 s26, $0x1;
	_ =	strace $0x80000046;
	[dreg:$0x1] =	wrdreg $0xFFFFFFFF  }
0xa7: {  	s28 =	simm.s32 $_size_execute0_lowered;
	s2 =	sadd.s32 s2, s4;
	[dreg:$0x0] =	wrdreg $0x0  }
0xa8: {  	s4 =	sshll.u32 s28, $0x1;
	[dreg:$0x2] =	wrdreg s2  }
0xa9: {  	[dreg:$0x3] =	wrdreg s4  }
0xaa: {  	[dreg:$0x4] =	wrdreg $0xC0  }
0xab: {  	_ =	task [dreg:s6], $0x5FFFF  }
0xac: {  	[dreg:$0x1] =	wrdreg $0xFFFFFFFF  }
0xad: {  	[dreg:$0x0] =	wrdreg $0x60  }
0xae: {  	[dreg:$0x2] =	wrdreg s24  }
0xaf: {  	[dreg:$0x3] =	wrdreg $0x9  }
0xb0: {  	_ =	task.clear_ibuf [dreg:s6], $0x4FFFF;
	_ =	strace $0x90000046  }
0xb1: {  	s29 =	simm.s32 $0x9;
	_ =	strace $0x80000048  }
0xb2: {  	_ =	swait.ge [sflag:s29], $0x1  }
0xb3: {  	[sflag:s29] =	ssyncadd.s32 $0xFFFFFFFF  }
0xb4: {  	_ =	strace $0x90000048  }
0xb5: {  	_ =	sfence  }
0xb6: {  	s30 =	sld [smem:$0x0];
	_ =	sdelay $0x2  }
0xb7: {  	s31 =	sshll.u32 s1, $0xD;
	s1 =	sshrl.u32 s1, $0x2  }
0xb8: {  	s3 =	sand.u32 $0x4000, s31;
	s1 =	sadd.s32 s1, s30  }
0xb9: {  	s0 =	sor.u32 s3, s0;
	s1 =	sshll.u32 s1, $0x11  }
0xba: {  	s0 =	sor.u32 s1, s0  }
0xbb: {  	s0 =	sadd.s32 $0x8F2B, s0  }
0xbc: {  	[sflag:s0] =	ssyncadd.remote.s32 $0x1  }
0xbd: {  	_ =	sfence.sel $0xFFFF  }
0xbe: {  	[dreg:$0x0] =	wrdreg $0xFFFFFFFF;
	(pc) =	sbr.abs _section_cstart, $3  }
0xbf: {  	[dreg:$0x1] =	wrdreg $0xFFFFFFFF  }
0xc0: {  	_ =	task.clear_ibuf [dreg:s6], $0x2FFFF;
	_ =	strace $0x9FFFFFFF  }
0xc1: {  	(tm) =	ssettm $0x7FFFFFFF  }
tec
execute0_lowered:
.L_overlay_start_1:
0x0: {  	(tag) =	ssettag $0x1  }
0x1: {  	s1 =	srdreg.scid;
	s0 =	stileid.u32  }
0x2: {  	s8 =	sand.u32 $0x1, s1;
	s3 =	sshll.u32 s0, $0x1  }
0x3: {  	s9 =	sor.u32 s8, s3  }
0x4: {  	p0 =	sgt.u32 s9, $0x18  }
.Ltmp0:
0x5: {  	_ = 	snop;
	(pc) =	sbr.rel @p0 .LBB2_4-.Ltmp0, $4  }
0x6: {  	_ = 	snop  }
0x7: {  	s7 =	rddreg [dreg:$0x0];
	s2 =	simm.s32 $0x0  }
0x8: {  	[smem:$0x7FF] =	sst s2  }
0x9: {  	s1 =	rddreg [dreg:$0x1];
	_ =	strace $0x80000047  }
0xa: {  	s3 =	sshll.u32 s0, $0x7;
	s4 =	sshll.u32 s8, $0x6  }
0xb: {  	s5 =	sadd.s32 $0xE00, s7;
	s3 =	sor.u32 s4, s3  }
0xc: {  	s6 =	sadd.s32 $0x1600, s7;
	s4 =	sadd.s32 s5, s3  }
0xd: {  	[tilespmem:s2], [sflag:$0x1] =	stream.linear.gather [hbm4b:s4+s2], $0x200, $0x38;
	[tilespmem:$0x580] =	vst v63  }
0xe: {  	s5 =	sadd.s32 s6, s3;
	s6 =	simm.s32 $0x200;
	s3 =	simm.s32 $0x1  }
0xf: {  	[tilespmem:s6], [sflag:$0x1] =	stream.linear.gather [hbm4b:s5+s2], $0x200, $0x38;
	[tilespmem:$0x580] =	vst v63  }
0x10: {  	_ =	swait.ge [sflag:s3], $0x200  }
0x11: {  	v0 =	vimm.s32 $0xEFCDAB89;
	v1 =	vimm.s32 $0x67452301;
	v2 =	vimm.s32 $0xDCFE98BA;
	[sflag:s3] =	ssyncset.done $0x0  }
0x12: {  	v3 =	vimm.s32 $0x54761032;
	v4 =	vimm.s32 $0xBA98FEDC;
	[sflag:s3] =	ssyncadd.s32 $0xFFFFFE00  }
0x13: {  	v5 =	vimm.s32 $0x32107654;
	v0 =	vunpack.c.l.s4.s8 v0;
	v1 =	vunpack.c.l.s4.s8 v1;
	_ =	swait.ge [sflag:s3], $0x200  }
0x14: {  	v2 =	vunpack.c.l.s4.s8 v2;
	v3 =	vunpack.c.l.s4.s8 v3;
	v4 =	vunpack.c.l.s4.s8 v4;
	[sflag:s3] =	ssyncset.done $0x0  }
0x15: {  	v5 =	vunpack.c.l.s4.s8 v5;
	v0 =	vunpack.c.0.s8.s32 v0;
	v1 =	vunpack.c.0.s8.s32 v1;
	[sflag:s3] =	ssyncadd.s32 $0xFFFFFE00  }
0x16: {  	v2 =	vunpack.c.0.s8.s32 v2;
	v3 =	vunpack.c.0.s8.s32 v3;
	v9 =	vld [tilespmem:$0x100]  }
0x17: {  	v0 =	vcombine.low v1, v0;
	v1 =	vunpack.c.0.s8.s32 v4;
	v4 =	vunpack.c.0.s8.s32 v5;
	v18 =	vld [tilespmem:$0x0]  }
0x18: {  	v2 =	vcombine.low v3, v2;
	v19 =	vld [tilespmem:$0x80]  }
0x19: {  	v3 =	vcombine.low v4, v1;
	v4 =	vimm.s32 $0xFEDCBA98  }
0x1a: {  	v0 =	vand.u32 $0xF, v0;
	v1 =	vand.u32 $0xF, v2;
	v5 =	vunpack.c.l.s4.s8 v4  }
0x1b: {  	v2 =	vand.u32 $0xF, v3;
	v3 =	vimm.s32 $0x76543210;
	v4 =	vld [tilespmem:$0x180];
	v6 =	vperm.xlane v9, v0  }
0x1c: {  	v3 =	vunpack.c.l.s4.s8 v3;
	v7 =	vperm.xlane v18, v0  }
0x1d: {  	v5 =	vunpack.c.0.s8.s32 v5;
	v8 =	vperm.xlane v19, v0;
	v6 =	vmax.f32 v9, v6  }
0x1e: {  	v3 =	vunpack.c.0.s8.s32 v3;
	v7 =	vmax.f32 v18, v7;
	v10 =	vperm.xlane v6, v1  }
0x1f: {  	v5 =	vand.u32 $0xF, v5;
	v8 =	vmax.f32 v19, v8;
	v11 =	vperm.xlane v7, v1  }
0x20: {  	v12 =	vperm.xlane v4, v0;
	v31 =	vperm.xlane v8, v1;
	v6 =	vmax.f32 v6, v10  }
0x21: {  	v3 =	vcombine.low v5, v3;
	v7 =	vmax.f32 v7, v11;
	v32 =	vperm.xlane v6, v2  }
0x22: {  	v5 =	vmax.f32 v4, v12;
	v8 =	vmax.f32 v8, v31;
	v33 =	vperm.xlane v7, v2  }
0x23: {  	v34 =	vperm.xlane v5, v1;
	v35 =	vperm.xlane v8, v2;
	v6 =	vmax.f32 v6, v32  }
0x24: {  	v7 =	vmax.f32 v7, v33;
	v36 =	vperm.xlane v6, v3  }
0x25: {  	v10 =	vmax.f32 v5, v34;
	v8 =	vmax.f32 v8, v35;
	v5 =	vperm.xlane v7, v3  }
0x26: {  	v37 =	vperm.xlane v10, v2;
	v38 =	vperm.xlane v8, v3;
	v6 =	vmax.f32 v6, v36  }
0x27: {  	v7 =	vmax.f32 v7, v5;
	v5 =	vsub.f32 v9, v6  }
0x28: {  	v8 =	vmax.f32 v8, v38;
	v6 =	vmax.f32 v10, v37;
	v7 =	vsub.f32 v18, v7  }
0x29: {  	v8 =	vsub.f32 v19, v8;
	v10 =	vperm.xlane v6, v3;
	v39 =	vmul.f32 $1.442695020e+00, v5  }
0x2a: {  	v40 =	vmul.f32 $1.442695020e+00, v7  }
0x2b: {  	v41 =	vmul.f32 $1.442695020e+00, v8;
	v6 =	vmax.f32 v6, v10;
	(erf) = vpow2.f32 v39  }
0x2c: {  	v6 =	vsub.f32 v4, v6;
	(erf) = vpow2.f32 v40  }
0x2d: {  	(erf) = vpow2.f32 v41  }
0x2e: {  	v42 =	vmul.f32 $1.442695020e+00, v6;
	_ =	sdelay $0x1  }
0x2f: {  	(erf) = vpow2.f32 v42;
	_ =	sdelay $0x3  }
0x30: {  	v13 =	vpop (erf)  }
0x31: {  	v43 =	vperm.xlane v13, v0;
	v12 =	vpop (erf)  }
0x32: {  	v14 =	vperm.xlane v12, v0;
	v10 =	vpop (erf)  }
0x33: {  	v15 =	vadd.f32 v13, v43;
	v16 =	vperm.xlane v10, v0  }
0x34: {  	v14 =	vadd.f32 v12, v14  }
0x35: {  	v11 =	vpop (erf);
	v17 =	vperm.xlane v15, v1;
	v16 =	vadd.f32 v10, v16  }
0x36: {  	v20 =	vperm.xlane v11, v0;
	v21 =	vperm.xlane v14, v1  }
0x37: {  	v15 =	vadd.f32 v15, v17;
	v44 =	vperm.xlane v16, v1  }
0x38: {  	v20 =	vadd.f32 v11, v20;
	v14 =	vadd.f32 v14, v21  }
0x39: {  	v45 =	vperm.xlane v15, v2;
	v16 =	vadd.f32 v16, v44  }
0x3a: {  	v46 =	vperm.xlane v20, v1;
	v22 =	vperm.xlane v14, v2  }
0x3b: {  	v15 =	vadd.f32 v15, v45;
	v47 =	vperm.xlane v16, v2  }
0x3c: {  	v17 =	vadd.f32 v20, v46;
	v14 =	vadd.f32 v14, v22  }
0x3d: {  	v48 =	vperm.xlane v15, v3;
	v21 =	vadd.f32 v16, v47  }
0x3e: {  	v49 =	vperm.xlane v17, v2;
	v23 =	vperm.xlane v14, v3  }
0x3f: {  	v16 =	vadd.f32 v15, v48;
	v50 =	vperm.xlane v21, v3  }
0x40: {  	v51 =	vadd.f32 v17, v49;
	v17 =	vadd.f32 v14, v23  }
0x41: {  	v52 =	vadd.f32 $-1.000000000e+00, v16;
	v15 =	vadd.f32 v21, v50  }
0x42: {  	v53 =	vperm.xlane v51, v3;
	v54 =	vadd.f32 $-1.000000000e+00, v17  }
0x43: {  	v24 =	vmul.f32 $1.848392490e-01, v52;
	v55 =	vadd.f32 $-1.000000000e+00, v15  }
0x44: {  	(erf) = vrcp.f32 v16;
	v14 =	vadd.f32 v51, v53;
	v25 =	vmul.f32 $1.848392490e-01, v54  }
0x45: {  	(erf) = vrcp.f32 v17;
	v56 =	vsub.f32 $0.0e+00, v24;
	v26 =	vmul.f32 $1.848392490e-01, v55  }
0x46: {  	(erf) = vrcp.f32 v15;
	v21 =	vadd.f32 $-1.000000000e+00, v14;
	v22 =	vsub.f32 $0.0e+00, v25  }
0x47: {  	(erf) = vrcp.f32 v14;
	v20 =	vmul.f32 $1.442695020e+00, v56;
	v23 =	vsub.f32 $0.0e+00, v26  }
0x48: {  	v27 =	vmul.f32 $1.848392490e-01, v21;
	v57 =	vmul.f32 $1.442695020e+00, v22  }
0x49: {  	(erf) = vpow2.f32 v20;
	v58 =	vmul.f32 $1.442695020e+00, v23  }
0x4a: {  	v59 =	vsub.f32 $0.0e+00, v27;
	(erf) = vpow2.f32 v57  }
0x4b: {  	(erf) = vpow2.f32 v58  }
0x4c: {  	v60 =	vmul.f32 $1.442695020e+00, v59  }
0x4d: {  	v23 =	vpop (erf)  }
0x4e: {  	v22 =	vpop (erf);
	(erf) = vpow2.f32 v60;
	_ =	sdelay $0x1  }
0x4f: {  	v21 =	vpop (erf)  }
0x50: {  	v20 =	vpop (erf)  }
0x51: {  	v28 =	vpop (erf)  }
0x52: {  	v28 =	vmul.f32 v28, v16;
	v29 =	vpop (erf)  }
0x53: {  	v29 =	vmul.f32 v29, v17;
	v30 =	vpop (erf)  }
0x54: {  	v28 =	vadd.f32 $-1.000000000e+00, v28;
	v30 =	vmul.f32 v30, v15  }
0x55: {  	v29 =	vadd.f32 $-1.000000000e+00, v29  }
0x56: {  	v61 =	vpop (erf);
	v24 =	vadd.f32 v28, v24;
	v30 =	vadd.f32 $-1.000000000e+00, v30  }
0x57: {  	v28 =	vmul.f32 v61, v14;
	v25 =	vadd.f32 v29, v25  }
0x58: {  	v62 =	vsub.f32 $0.0e+00, v24;
	v26 =	vadd.f32 v30, v26  }
0x59: {  	v28 =	vadd.f32 $-1.000000000e+00, v28;
	v63 =	vsub.f32 $0.0e+00, v25  }
0x5a: {  	v29 =	vmul.f32 $1.442695020e+00, v62;
	v31 =	vsub.f32 $0.0e+00, v26  }
0x5b: {  	v27 =	vadd.f32 v28, v27;
	v30 =	vmul.f32 $1.442695020e+00, v63  }
0x5c: {  	(erf) = vpow2.f32 v29;
	v33 =	vmul.f32 $1.442695020e+00, v31  }
0x5d: {  	v34 =	vsub.f32 $0.0e+00, v27;
	(erf) = vpow2.f32 v30  }
0x5e: {  	(erf) = vpow2.f32 v33  }
0x5f: {  	v35 =	vmul.f32 $1.442695020e+00, v34;
	_ =	sdelay $0x1  }
0x60: {  	(erf) = vpow2.f32 v35;
	_ =	sdelay $0x3  }
0x61: {  	v36 =	vpop (erf)  }
0x62: {  	v38 =	vld [tilespmem:$0x380];
	v28 =	vmul.f32 v36, v16;
	v37 =	vpop (erf)  }
0x63: {  	v29 =	vmul.f32 v37, v17;
	v39 =	vpop (erf)  }
0x64: {  	v28 =	vadd.f32 $-1.000000000e+00, v28;
	v31 =	vmul.f32 v39, v15  }
0x65: {  	v29 =	vadd.f32 $-1.000000000e+00, v29  }
0x66: {  	v41 =	vpop (erf);
	v24 =	vadd.f32 v28, v24;
	v40 =	vadd.f32 $-1.000000000e+00, v31  }
0x67: {  	v30 =	vadd.f32 v38, v4;
	v42 =	vmul.f32 v41, v14;
	v25 =	vadd.f32 v29, v25  }
0x68: {  	v43 =	vsub.f32 $0.0e+00, v24;
	v26 =	vadd.f32 v40, v26  }
0x69: {  	v44 =	vadd.f32 $-1.000000000e+00, v42;
	v4 =	vsub.f32 $0.0e+00, v25  }
0x6a: {  	v45 =	vmul.f32 $1.442695020e+00, v43;
	v32 =	vsub.f32 $0.0e+00, v26  }
0x6b: {  	v46 =	vperm.xlane v30, v0;
	v27 =	vadd.f32 v44, v27;
	v4 =	vmul.f32 $1.442695020e+00, v4  }
0x6c: {  	(erf) = vpow2.f32 v45;
	v48 =	vmul.f32 $1.442695020e+00, v32  }
0x6d: {  	v47 =	vmax.f32 v30, v46;
	v49 =	vsub.f32 $0.0e+00, v27;
	(erf) = vpow2.f32 v4  }
0x6e: {  	v31 =	vperm.xlane v47, v1;
	(erf) = vpow2.f32 v48  }
0x6f: {  	v50 =	vmul.f32 $1.442695020e+00, v49  }
0x70: {  	v4 =	vmax.f32 v47, v31  }
0x71: {  	v51 =	vperm.xlane v4, v2;
	(erf) = vpow2.f32 v50;
	_ =	sdelay $0x1  }
0x72: {  	v4 =	vmax.f32 v4, v51  }
0x73: {  	v52 =	vperm.xlane v4, v3  }
0x74: {  	v53 =	vpop (erf)  }
0x75: {  	v33 =	vld [tilespmem:$0x200];
	v28 =	vmax.f32 v4, v52;
	v29 =	vmul.f32 v53, v16;
	v54 =	vpop (erf)  }
0x76: {  	vm0 =	veq.f32 v30, v28;
	v28 =	vmul.f32 v54, v17;
	v55 =	vpop (erf)  }
0x77: {  	v29 =	vadd.f32 $-1.000000000e+00, v29;
	v31 =	vmul.f32 v55, v15  }
0x78: {  	v28 =	vadd.f32 $-1.000000000e+00, v28  }
0x79: {  	v58 =	vpop (erf);
	v24 =	vadd.f32 v29, v24;
	v57 =	vadd.f32 $-1.000000000e+00, v31  }
0x7a: {  	v63 =	vadd.f32 v33, v18;
	v59 =	vmul.f32 v58, v14;
	v25 =	vadd.f32 v28, v25  }
0x7b: {  	v4 =	vlaneseq.u32;
	v60 =	vsub.f32 $0.0e+00, v24;
	v26 =	vadd.f32 v57, v26  }
0x7c: {  	v61 =	vld [tilespmem:$0x280];
	v30 =	vnsel vm0, $0x10, v4;
	v28 =	vadd.f32 $-1.000000000e+00, v59;
	v62 =	vsub.f32 $0.0e+00, v25  }
0x7d: {  	v56 =	vperm.xlane v30, v0;
	v31 =	vmul.f32 $1.442695020e+00, v60;
	v35 =	vsub.f32 $0.0e+00, v26  }
0x7e: {  	v37 =	vperm.xlane v63, v0;
	v27 =	vadd.f32 v28, v27;
	v32 =	vmul.f32 $1.442695020e+00, v62  }
0x7f: {  	v42 =	vld [tilespmem:$0x300];
	vm0 =	vlt.s32 v30, v56;
	(erf) = vpow2.f32 v31;
	v35 =	vmul.f32 $1.442695020e+00, v35  }
0x80: {  	v30 =	vsel vm0, v30, v56;
	v36 =	vsub.f32 $0.0e+00, v27;
	(erf) = vpow2.f32 v32  }
0x81: {  	v19 =	vadd.f32 v61, v19;
	v34 =	vperm.xlane v30, v1;
	(erf) = vpow2.f32 v35  }
0x82: {  	v13 =	vmul.f32 v23, v13;
	v29 =	vmax.f32 v63, v37;
	v31 =	vmul.f32 $1.442695020e+00, v36  }
0x83: {  	v39 =	vperm.xlane v19, v0;
	v40 =	vperm.xlane v29, v1;
	vm0 =	vlt.s32 v30, v34  }
0x84: {  	v9 =	vadd.f32 v42, v9;
	v30 =	vsel vm0, v30, v34;
	(erf) = vpow2.f32 v31  }
0x85: {  	v12 =	vmul.f32 v22, v12;
	v29 =	vmax.f32 v29, v40;
	v38 =	vperm.xlane v30, v2  }
0x86: {  	v41 =	vmax.f32 v19, v39;
	v52 =	vperm.xlane v9, v0;
	v33 =	vperm.xlane v29, v2  }
0x87: {  	v10 =	vmul.f32 v21, v10;
	v44 =	vperm.xlane v41, v1;
	vm0 =	vlt.s32 v30, v38  }
0x88: {  	v29 =	vmax.f32 v29, v33;
	v33 =	vmax.f32 v9, v52;
	v18 =	vsel vm0, v30, v38;
	v45 =	vpop (erf)  }
0x89: {  	v30 =	vmax.f32 v41, v44;
	v49 =	vperm.xlane v29, v3;
	v55 =	vperm.xlane v33, v1;
	v48 =	vpop (erf)  }
0x8a: {  	vm1 =	vcmask $0x310;
	v47 =	vperm.xlane v30, v2;
	v46 =	vmul.f32 v45, v16;
	v50 =	vpop (erf)  }
0x8b: {  	vm2 =	vcmask $0x710;
	v51 =	vmul.f32 v48, v17;
	v31 =	vmul.f32 v50, v15  }
0x8c: {  	v43 =	vperm.xlane v18, v3;
	v29 =	vmax.f32 v29, v49;
	v34 =	vadd.f32 $-1.000000000e+00, v46  }
0x8d: {  	v30 =	vmax.f32 v30, v47;
	v32 =	vadd.f32 $-1.000000000e+00, v51;
	v53 =	vpop (erf);
	v31 =	vadd.f32 $-1.000000000e+00, v31  }
0x8e: {  	vm4 =	veq.f32 v63, v29;
	v24 =	vadd.f32 v34, v24;
	v28 =	vmul.f32 v53, v14  }
0x8f: {  	v54 =	vperm.xlane v30, v3;
	v25 =	vadd.f32 v32, v25;
	v26 =	vadd.f32 v31, v26  }
0x90: {  	v58 =	vnsel vm4, $0x10, v4;
	v56 =	vsub.f32 $0.0e+00, v24;
	v28 =	vadd.f32 $-1.000000000e+00, v28  }
0x91: {  	v29 =	vmax.f32 v30, v54;
	v31 =	vmax.f32 v33, v55;
	v32 =	vsub.f32 $0.0e+00, v25  }
0x92: {  	v27 =	vadd.f32 v28, v27;
	v57 =	vsub.f32 $0.0e+00, v26;
	v30 =	vmul.f32 $1.442695020e+00, v56  }
0x93: {  	vm4 =	veq.f32 v19, v29;
	v60 =	vperm.xlane v31, v2;
	v32 =	vmul.f32 $1.442695020e+00, v32  }
0x94: {  	(erf) = vpow2.f32 v30;
	v28 =	vmul.f32 $1.442695020e+00, v57;
	v59 =	vsub.f32 $0.0e+00, v27  }
0x95: {  	v61 =	vperm.xlane v58, v0;
	v29 =	vnsel vm4, $0x10, v4;
	(erf) = vpow2.f32 v32  }
0x96: {  	v19 =	vmax.f32 v31, v60;
	(erf) = vpow2.f32 v28;
	v32 =	vmul.f32 $1.442695020e+00, v59  }
0x97: {  	vm3 =	vcmask $0xB10;
	v62 =	vperm.xlane v29, v0;
	v31 =	vperm.xlane v19, v3  }
0x98: {  	vm0 =	vlt.s32 v18, v43;
	vm4 =	vlt.s32 v58, v61;
	(erf) = vpow2.f32 v32  }
0x99: {  	v63 =	vsel vm4, v58, v61;
	vm4 =	vlt.s32 v29, v62;
	v19 =	vmax.f32 v19, v31  }
0x9a: {  	v23 =	vsel vm4, v29, v62;
	v28 =	vperm.xlane v63, v1;
	vm4 =	veq.f32 v9, v19  }
0x9b: {  	v18 =	vsel vm0, v18, v43;
	v32 =	vperm.xlane v23, v1;
	v34 =	vnsel vm4, $0x10, v4  }
0x9c: {  	vm0 =	vmmov $0x1;
	vm5 =	vlt.s32 v63, v28;
	v36 =	vperm.xlane v34, v0  }
0x9d: {  	v33 =	vmul.f32 v20, v11;
	v35 =	vsel vm5, v63, v28;
	vm4 =	vlt.s32 v23, v32;
	v37 =	vpop (erf)  }
0x9e: {  	v28 =	vperm.xlane v35, v2;
	v21 =	vsel vm4, v23, v32;
	vm4 =	vlt.s32 v34, v36;
	v38 =	vpop (erf)  }
0x9f: {  	v39 =	vperm.xlane v21, v2;
	v11 =	vsel vm4, v34, v36;
	v17 =	vmul.f32 v38, v17;
	v40 =	vpop (erf)  }
0xa0: {  	vm4 =	vlt.s32 v35, v28;
	v20 =	vperm.xlane v11, v1;
	v15 =	vmul.f32 v40, v15  }
0xa1: {  	v19 =	vsel vm4, v35, v28;
	v16 =	vmul.f32 v37, v16;
	v17 =	vadd.f32 $-1.000000000e+00, v17;
	v41 =	vpop (erf)  }
0xa2: {  	v43 =	vperm.xlane v19, v3;
	v15 =	vadd.f32 $-1.000000000e+00, v15;
	v14 =	vmul.f32 v41, v14  }
0xa3: {  	vm4 =	vlt.s32 v11, v20;
	v16 =	vadd.f32 $-1.000000000e+00, v16;
	v17 =	vadd.f32 v17, v25  }
0xa4: {  	v11 =	vsel vm4, v11, v20;
	v15 =	vadd.f32 v15, v26;
	v14 =	vadd.f32 $-1.000000000e+00, v14  }
0xa5: {  	vm4 =	vlt.s32 v21, v39;
	v16 =	vadd.f32 v16, v24;
	v7 =	vsub.f32 v7, v17  }
0xa6: {  	v42 =	vperm.xlane v11, v2;
	v8 =	vsub.f32 v8, v15;
	v14 =	vadd.f32 v14, v27  }
0xa7: {  	v44 =	vsel vm4, v21, v39;
	v5 =	vsub.f32 v5, v16;
	v12 =	vmul.f32 v7, v12  }
0xa8: {  	v49 =	vperm.xlane v44, v3;
	v10 =	vmul.f32 v8, v10;
	v6 =	vsub.f32 v6, v14  }
0xa9: {  	vm4 =	vlt.s32 v19, v43;
	v13 =	vmul.f32 v5, v13;
	v46 =	vperm.xlane v12, v0  }
0xaa: {  	v48 =	vsel vm4, v19, v43;
	v47 =	vperm.xlane v10, v0;
	v9 =	vmul.f32 v6, v33  }
0xab: {  	vm5 =	vlt.s32 v11, v42;
	v45 =	vperm.xlane v13, v0;
	v12 =	vadd.f32 v12, v46  }
0xac: {  	v11 =	vsel vm5, v11, v42;
	v10 =	vadd.f32 v10, v47;
	v50 =	vperm.xlane v9, v0  }
0xad: {  	vm4 =	vlt.s32 v44, v49;
	v13 =	vadd.f32 v13, v45;
	v52 =	vperm.xlane v12, v1  }
0xae: {  	v58 =	vperm.xlane v11, v3;
	v53 =	vperm.xlane v10, v1;
	v9 =	vadd.f32 v9, v50  }
0xaf: {  	v15 =	vsel vm4, v44, v49;
	v51 =	vperm.xlane v13, v1;
	v12 =	vadd.f32 v12, v52  }
0xb0: {  	v7 =	vperm.xlane v7, v48;
	v10 =	vadd.f32 v10, v53;
	v54 =	vperm.xlane v9, v1  }
0xb1: {  	vm4 =	vlt.s32 v11, v58;
	v13 =	vadd.f32 v13, v51;
	v56 =	vperm.xlane v12, v2  }
0xb2: {  	v14 =	vnsel vm0, $0x0, v48;
	v57 =	vperm.xlane v10, v2;
	v9 =	vadd.f32 v9, v54  }
0xb3: {  	v8 =	vperm.xlane v8, v15;
	v55 =	vperm.xlane v13, v2;
	v12 =	vadd.f32 v12, v56  }
0xb4: {  	v11 =	vsel vm4, v11, v58;
	v10 =	vadd.f32 v10, v57;
	v59 =	vperm.xlane v9, v2  }
0xb5: {  	v7 =	vnsel vm0, $0x0, v7;
	v13 =	vadd.f32 v13, v55;
	v61 =	vperm.xlane v12, v3  }
0xb6: {  	v14 =	vsel vm1, v14, v15;
	v20 =	vperm.xlane v10, v3;
	v9 =	vadd.f32 v9, v59  }
0xb7: {  	v7 =	vsel vm1, v7, v8;
	v60 =	vperm.xlane v13, v3;
	v8 =	vadd.f32 v12, v61  }
0xb8: {  	v5 =	vperm.xlane v5, v11;
	v10 =	vadd.f32 v10, v20;
	v62 =	vperm.xlane v9, v3  }
0xb9: {  	s30 =	ssub.s32 $0x2, s8;
	v11 =	vsel vm2, v14, v11;
	v13 =	vadd.f32 v13, v60;
	v8 =	vsub.f32 $0.0e+00, v8  }
0xba: {  	s31 =	sshrl.u32 s30, $0x1;
	v6 =	vperm.xlane v6, v18;
	v10 =	vsub.f32 $0.0e+00, v10;
	v9 =	vadd.f32 v9, v62  }
0xbb: {  	s10 =	ssub.s32 s30, s31;
	v5 =	vsel vm2, v7, v5;
	v63 =	vsub.f32 $0.0e+00, v13;
	v7 =	vnsel vm0, $0x0, v8  }
0xbc: {  	s13 =	smax.u32 s10, $0x1;
	v11 =	vsel vm3, v11, v18;
	v7 =	vsel vm1, v7, v10;
	v9 =	vsub.f32 $0.0e+00, v9  }
0xbd: {  	s9 =	sshll.u32 s9, $0x4;
	p0 =	sne.s32 s13, $0x1;
	v5 =	vsel vm3, v5, v6;
	[tilespmem:$0x400] =	vst v11;
	v6 =	vsel vm2, v7, v63  }
.Ltmp1:
0xbe: {  	s8 =	simm.s32 $0x400;
	s11 =	sadd.s32 s9, s7;
	[tilespmem:$0x480] =	vst v5;
	v5 =	vsel vm3, v6, v9;
	(pc) =	sbr.rel @!p0 .LBB2_3-.Ltmp1, $4  }
0xbf: {  	s12 =	simm.s32 $0x500;
	s7 =	sadd.s32 $0x1E00, s11;
	s9 =	sadd.s32 $0x2000, s11;
	[tilespmem:$0x500] =	vst v5  }
0xc0: {  	[hbm4b:s7+s2] =	stream.linear.scatter [tilespmem:s8], [sflag:$0x1], $0x80, $0x38;
	[tilespmem:$0x580] =	vst v63  }
0xc1: {  	s11 =	sadd.s32 $0x2200, s11;
	s10 =	simm.s32 $0x480;
	s13 =	sadd.s32 $0xFFFFFFFF, s13  }
0xc2: {  	[hbm4b:s9+s2] =	stream.linear.scatter [tilespmem:s10], [sflag:$0x1], $0x80, $0x38;
	[tilespmem:$0x580] =	vst v63  }
.LBB2_2:
0xc3: {  	p0 =	sne.s32 s13, $0x1;
	s13 =	sadd.s32 $0xFFFFFFFF, s13  }
0xc4: {  	[hbm4b:s11+s2] =	stream.linear.scatter [tilespmem:s12], [sflag:$0x1], $0x80, $0x38;
	[tilespmem:$0x580] =	vst v63  }
0xc5: {  	_ =	swait.ge [sflag:s3], $0x80  }
0xc6: {  	[sflag:s3] =	ssyncset.done $0x0  }
0xc7: {  	[sflag:s3] =	ssyncadd.s32 $0xFFFFFF80  }
0xc8: {  	_ =	swait.ge [sflag:s3], $0x80  }
0xc9: {  	[sflag:s3] =	ssyncset.done $0x0  }
0xca: {  	[sflag:s3] =	ssyncadd.s32 $0xFFFFFF80  }
0xcb: {  	_ =	swait.ge [sflag:s3], $0x80  }
0xcc: {  	[sflag:s3] =	ssyncset.done $0x0  }
0xcd: {  	[sflag:s3] =	ssyncadd.s32 $0xFFFFFF80  }
0xce: {  	[tilespmem:s2], [sflag:$0x1] =	stream.linear.gather [hbm4b:s4+s2], $0x200, $0x38;
	[tilespmem:$0x580] =	vst v63  }
0xcf: {  	_ = 	snop  }
0xd0: {  	[tilespmem:s6], [sflag:$0x1] =	stream.linear.gather [hbm4b:s5+s2], $0x200, $0x38;
	[tilespmem:$0x580] =	vst v63  }
0xd1: {  	_ =	swait.ge [sflag:s3], $0x200  }
0xd2: {  	[sflag:s3] =	ssyncset.done $0x0  }
0xd3: {  	[sflag:s3] =	ssyncadd.s32 $0xFFFFFE00  }
0xd4: {  	_ =	swait.ge [sflag:s3], $0x200  }
0xd5: {  	[sflag:s3] =	ssyncset.done $0x0  }
0xd6: {  	[sflag:s3] =	ssyncadd.s32 $0xFFFFFE00  }
0xd7: {  	v10 =	vld [tilespmem:$0x100]  }
0xd8: {  	v12 =	vld [tilespmem:$0x0]  }
0xd9: {  	v11 =	vld [tilespmem:$0x80];
	_ =	sdelay $0x1  }
0xda: {  	v5 =	vld [tilespmem:$0x180]  }
0xdb: {  	v6 =	vperm.xlane v10, v0;
	v7 =	vld [tilespmem:$0x380]  }
0xdc: {  	v8 =	vperm.xlane v12, v0  }
0xdd: {  	v9 =	vperm.xlane v11, v0;
	v6 =	vmax.f32 v10, v6  }
0xde: {  	v8 =	vmax.f32 v12, v8;
	v13 =	vperm.xlane v6, v1  }
0xdf: {  	v14 =	vperm.xlane v8, v1;
	v9 =	vmax.f32 v11, v9;
	v15 =	vperm.xlane v5, v0  }
0xe0: {  	v16 =	vperm.xlane v9, v1;
	v6 =	vmax.f32 v6, v13;
	v13 =	vadd.f32 v7, v5  }
0xe1: {  	v7 =	vmax.f32 v8, v14;
	v8 =	vperm.xlane v6, v2;
	v14 =	vmax.f32 v5, v15  }
0xe2: {  	v15 =	vperm.xlane v7, v2;
	v9 =	vmax.f32 v9, v16;
	v16 =	vperm.xlane v14, v1  }
0xe3: {  	v17 =	vperm.xlane v9, v2;
	v6 =	vmax.f32 v6, v8;
	v8 =	vperm.xlane v13, v0  }
0xe4: {  	v7 =	vmax.f32 v7, v15;
	v15 =	vperm.xlane v6, v3;
	v14 =	vmax.f32 v14, v16  }
0xe5: {  	v16 =	vperm.xlane v7, v3;
	v9 =	vmax.f32 v9, v17;
	v17 =	vperm.xlane v14, v2  }
0xe6: {  	v18 =	vperm.xlane v9, v3;
	v6 =	vmax.f32 v6, v15;
	v15 =	vmax.f32 v13, v8  }
0xe7: {  	v8 =	vmax.f32 v7, v16;
	v7 =	vsub.f32 v10, v6;
	v14 =	vmax.f32 v14, v17  }
0xe8: {  	v8 =	vsub.f32 v12, v8;
	v6 =	vmax.f32 v9, v18;
	v9 =	vperm.xlane v14, v3  }
0xe9: {  	v17 =	vperm.xlane v15, v1;
	v6 =	vsub.f32 v11, v6;
	v16 =	vmul.f32 $1.442695020e+00, v7  }
0xea: {  	v18 =	vmul.f32 $1.442695020e+00, v8;
	v9 =	vmax.f32 v14, v9  }
0xeb: {  	v14 =	vmul.f32 $1.442695020e+00, v6;
	v5 =	vsub.f32 v5, v9;
	(erf) = vpow2.f32 v16  }
0xec: {  	v9 =	vmax.f32 v15, v17;
	(erf) = vpow2.f32 v18  }
0xed: {  	v15 =	vmul.f32 $1.442695020e+00, v5;
	(erf) = vpow2.f32 v14  }
0xee: {  	v14 =	vperm.xlane v9, v2  }
0xef: {  	(erf) = vpow2.f32 v15  }
0xf0: {  	v9 =	vmax.f32 v9, v14  }
0xf1: {  	v14 =	vperm.xlane v9, v3;
	_ =	sdelay $0x1  }
0xf2: {  	v9 =	vmax.f32 v9, v14  }
0xf3: {  	vm4 =	veq.f32 v13, v9;
	v17 =	vpop (erf)  }
0xf4: {  	v13 =	vnsel vm4, $0x10, v4;
	v9 =	vperm.xlane v17, v0;
	v19 =	vpop (erf)  }
0xf5: {  	v15 =	vperm.xlane v13, v0;
	v14 =	vperm.xlane v19, v0;
	v21 =	vpop (erf)  }
0xf6: {  	v16 =	vperm.xlane v21, v0;
	v9 =	vadd.f32 v17, v9  }
0xf7: {  	vm4 =	vlt.s32 v13, v15;
	v14 =	vadd.f32 v19, v14;
	v22 =	vpop (erf)  }
0xf8: {  	v16 =	vadd.f32 v21, v16;
	v18 =	vperm.xlane v9, v1;
	v20 =	vperm.xlane v22, v0  }
0xf9: {  	v13 =	vsel vm4, v13, v15;
	v23 =	vperm.xlane v14, v1  }
0xfa: {  	v15 =	vperm.xlane v16, v1;
	v9 =	vadd.f32 v9, v18;
	v18 =	vadd.f32 v22, v20  }
0xfb: {  	v20 =	vperm.xlane v13, v1;
	v14 =	vadd.f32 v14, v23  }
0xfc: {  	v15 =	vadd.f32 v16, v15;
	v16 =	vperm.xlane v9, v2;
	v23 =	vperm.xlane v18, v1  }
0xfd: {  	vm4 =	vlt.s32 v13, v20;
	v24 =	vperm.xlane v14, v2  }
0xfe: {  	v25 =	vperm.xlane v15, v2;
	v9 =	vadd.f32 v9, v16;
	v18 =	vadd.f32 v18, v23  }
0xff: {  	v13 =	vsel vm4, v13, v20;
	v14 =	vadd.f32 v14, v24  }
0x100: {  	v20 =	vadd.f32 v15, v25;
	v15 =	vperm.xlane v9, v3;
	v23 =	vperm.xlane v18, v2  }
0x101: {  	v25 =	vperm.xlane v13, v2;
	v24 =	vperm.xlane v14, v3  }
0x102: {  	v26 =	vperm.xlane v20, v3;
	v16 =	vadd.f32 v9, v15;
	v9 =	vadd.f32 v18, v23  }
0x103: {  	vm4 =	vlt.s32 v13, v25;
	v15 =	vadd.f32 v14, v24  }
0x104: {  	v14 =	vadd.f32 v20, v26;
	v18 =	vadd.f32 $-1.000000000e+00, v16;
	v20 =	vperm.xlane v9, v3  }
0x105: {  	v24 =	vsel vm4, v13, v25;
	v23 =	vadd.f32 $-1.000000000e+00, v15;
	(erf) = vrcp.f32 v16  }
0x106: {  	v25 =	vadd.f32 $-1.000000000e+00, v14;
	v26 =	vmul.f32 $1.848392490e-01, v18;
	v13 =	vadd.f32 v9, v20  }
0x107: {  	v23 =	vmul.f32 $1.848392490e-01, v23;
	(erf) = vrcp.f32 v15  }
0x108: {  	v25 =	vmul.f32 $1.848392490e-01, v25;
	v9 =	vsub.f32 $0.0e+00, v26;
	v18 =	vadd.f32 $-1.000000000e+00, v13  }
0x109: {  	v27 =	vperm.xlane v24, v3;
	v20 =	vsub.f32 $0.0e+00, v23;
	(erf) = vrcp.f32 v14  }
0x10a: {  	v28 =	vsub.f32 $0.0e+00, v25;
	v9 =	vmul.f32 $1.442695020e+00, v9;
	v29 =	vmul.f32 $1.848392490e-01, v18  }
0x10b: {  	vm4 =	vlt.s32 v24, v27;
	v30 =	vmul.f32 $1.442695020e+00, v20;
	(erf) = vrcp.f32 v13  }
0x10c: {  	v20 =	vmul.f32 $1.442695020e+00, v28;
	v28 =	vsub.f32 $0.0e+00, v29;
	(erf) = vpow2.f32 v9  }
0x10d: {  	v9 =	vsel vm4, v24, v27;
	(erf) = vpow2.f32 v30  }
0x10e: {  	v24 =	vmul.f32 $1.442695020e+00, v28;
	(erf) = vpow2.f32 v20;
	v18 =	vpop (erf)  }
0x10f: {  	v18 =	vmul.f32 v18, v17  }
0x110: {  	v17 =	vpop (erf);
	(erf) = vpow2.f32 v24  }
0x111: {  	v20 =	vmul.f32 v17, v19  }
0x112: {  	v17 =	vpop (erf)  }
0x113: {  	v19 =	vmul.f32 v17, v21  }
0x114: {  	v17 =	vpop (erf)  }
0x115: {  	v17 =	vmul.f32 v17, v22;
	v21 =	vpop (erf)  }
0x116: {  	v21 =	vmul.f32 v21, v16;
	v22 =	vpop (erf)  }
0x117: {  	v22 =	vmul.f32 v22, v15;
	v24 =	vpop (erf)  }
0x118: {  	v24 =	vmul.f32 v24, v14;
	v21 =	vadd.f32 $-1.000000000e+00, v21  }
0x119: {  	v22 =	vadd.f32 $-1.000000000e+00, v22;
	v27 =	vpop (erf)  }
0x11a: {  	v24 =	vadd.f32 $-1.000000000e+00, v24;
	v21 =	vadd.f32 v21, v26;
	v26 =	vmul.f32 v27, v13  }
0x11b: {  	v22 =	vadd.f32 v22, v23  }
0x11c: {  	v23 =	vadd.f32 v24, v25;
	v24 =	vsub.f32 $0.0e+00, v21  }
0x11d: {  	v26 =	vadd.f32 $-1.000000000e+00, v26;
	v25 =	vsub.f32 $0.0e+00, v22  }
0x11e: {  	v27 =	vsub.f32 $0.0e+00, v23;
	v24 =	vmul.f32 $1.442695020e+00, v24  }
0x11f: {  	v26 =	vadd.f32 v26, v29;
	v25 =	vmul.f32 $1.442695020e+00, v25  }
0x120: {  	v27 =	vmul.f32 $1.442695020e+00, v27;
	(erf) = vpow2.f32 v24  }
0x121: {  	v24 =	vsub.f32 $0.0e+00, v26;
	(erf) = vpow2.f32 v25  }
0x122: {  	(erf) = vpow2.f32 v27  }
0x123: {  	v24 =	vmul.f32 $1.442695020e+00, v24;
	_ =	sdelay $0x1  }
0x124: {  	(erf) = vpow2.f32 v24;
	_ =	sdelay $0x3  }
0x125: {  	v24 =	vpop (erf)  }
0x126: {  	v24 =	vmul.f32 v24, v16;
	v25 =	vpop (erf)  }
0x127: {  	v25 =	vmul.f32 v25, v15;
	v27 =	vpop (erf)  }
0x128: {  	v27 =	vmul.f32 v27, v14;
	v28 =	vadd.f32 $-1.000000000e+00, v24  }
0x129: {  	v25 =	vadd.f32 $-1.000000000e+00, v25  }
0x12a: {  	v27 =	vadd.f32 $-1.000000000e+00, v27;
	v21 =	vadd.f32 v28, v21;
	v24 =	vpop (erf)  }
0x12b: {  	v22 =	vadd.f32 v25, v22;
	v24 =	vmul.f32 v24, v13  }
0x12c: {  	v23 =	vadd.f32 v27, v23;
	v25 =	vsub.f32 $0.0e+00, v21  }
0x12d: {  	v27 =	vsub.f32 $0.0e+00, v22;
	v24 =	vadd.f32 $-1.000000000e+00, v24  }
0x12e: {  	v28 =	vsub.f32 $0.0e+00, v23;
	v25 =	vmul.f32 $1.442695020e+00, v25  }
0x12f: {  	v27 =	vmul.f32 $1.442695020e+00, v27;
	v24 =	vadd.f32 v24, v26  }
0x130: {  	v26 =	vmul.f32 $1.442695020e+00, v28;
	(erf) = vpow2.f32 v25  }
0x131: {  	v25 =	vsub.f32 $0.0e+00, v24;
	(erf) = vpow2.f32 v27  }
0x132: {  	(erf) = vpow2.f32 v26  }
0x133: {  	v25 =	vmul.f32 $1.442695020e+00, v25;
	_ =	sdelay $0x1  }
0x134: {  	(erf) = vpow2.f32 v25;
	_ =	sdelay $0x3  }
0x135: {  	v25 =	vpop (erf)  }
0x136: {  	v25 =	vmul.f32 v25, v16;
	v26 =	vpop (erf)  }
0x137: {  	v26 =	vmul.f32 v26, v15;
	v27 =	vpop (erf)  }
0x138: {  	v28 =	vld [tilespmem:$0x280];
	v27 =	vmul.f32 v27, v14;
	v30 =	vadd.f32 $-1.000000000e+00, v25  }
0x139: {  	v29 =	vld [tilespmem:$0x200];
	v26 =	vadd.f32 $-1.000000000e+00, v26  }
0x13a: {  	v27 =	vadd.f32 $-1.000000000e+00, v27;
	v21 =	vadd.f32 v30, v21;
	v25 =	vpop (erf)  }
0x13b: {  	v22 =	vadd.f32 v26, v22;
	v25 =	vmul.f32 v25, v13  }
0x13c: {  	v23 =	vadd.f32 v27, v23;
	v26 =	vsub.f32 $0.0e+00, v21  }
0x13d: {  	v27 =	vsub.f32 $0.0e+00, v22;
	v25 =	vadd.f32 $-1.000000000e+00, v25  }
0x13e: {  	v12 =	vadd.f32 v29, v12;
	v29 =	vsub.f32 $0.0e+00, v23;
	v26 =	vmul.f32 $1.442695020e+00, v26  }
0x13f: {  	v11 =	vadd.f32 v28, v11;
	v27 =	vmul.f32 $1.442695020e+00, v27;
	v24 =	vadd.f32 v25, v24  }
0x140: {  	v25 =	vmul.f32 $1.442695020e+00, v29;
	(erf) = vpow2.f32 v26  }
0x141: {  	v26 =	vperm.xlane v12, v0;
	v28 =	vsub.f32 $0.0e+00, v24;
	(erf) = vpow2.f32 v27  }
0x142: {  	v27 =	vperm.xlane v11, v0;
	(erf) = vpow2.f32 v25  }
0x143: {  	v25 =	vmax.f32 v12, v26;
	v26 =	vmul.f32 $1.442695020e+00, v28  }
0x144: {  	v28 =	vperm.xlane v25, v1;
	v27 =	vmax.f32 v11, v27  }
0x145: {  	v29 =	vperm.xlane v27, v1;
	(erf) = vpow2.f32 v26  }
0x146: {  	v25 =	vmax.f32 v25, v28  }
0x147: {  	v30 =	vperm.xlane v25, v2;
	v27 =	vmax.f32 v27, v29;
	v28 =	vld [tilespmem:$0x300]  }
0x148: {  	v31 =	vperm.xlane v27, v2  }
0x149: {  	v25 =	vmax.f32 v25, v30;
	v26 =	vpop (erf)  }
0x14a: {  	v30 =	vperm.xlane v25, v3;
	v27 =	vmax.f32 v27, v31;
	v26 =	vmul.f32 v26, v16;
	v29 =	vpop (erf)  }
0x14b: {  	v31 =	vperm.xlane v27, v3;
	v29 =	vmul.f32 v29, v15;
	v32 =	vpop (erf)  }
0x14c: {  	v32 =	vmul.f32 v32, v14;
	v10 =	vadd.f32 v28, v10;
	v33 =	vadd.f32 $-1.000000000e+00, v26  }
0x14d: {  	v25 =	vmax.f32 v25, v30;
	v27 =	vmax.f32 v27, v31;
	v28 =	vadd.f32 $-1.000000000e+00, v29  }
0x14e: {  	v29 =	vadd.f32 $-1.000000000e+00, v32;
	v30 =	vperm.xlane v10, v0;
	v21 =	vadd.f32 v33, v21;
	v26 =	vpop (erf)  }
0x14f: {  	vm4 =	veq.f32 v12, v25;
	v12 =	vadd.f32 v28, v22;
	v22 =	vmul.f32 v26, v13  }
0x150: {  	v23 =	vadd.f32 v29, v23;
	v25 =	vmax.f32 v10, v30;
	v26 =	vsub.f32 $0.0e+00, v21  }
0x151: {  	v28 =	vsub.f32 $0.0e+00, v12;
	v29 =	vperm.xlane v25, v1;
	v22 =	vadd.f32 $-1.000000000e+00, v22  }
0x152: {  	v30 =	vnsel vm4, $0x10, v4;
	v31 =	vsub.f32 $0.0e+00, v23;
	v26 =	vmul.f32 $1.442695020e+00, v26  }
0x153: {  	v28 =	vmul.f32 $1.442695020e+00, v28;
	v25 =	vmax.f32 v25, v29;
	v22 =	vadd.f32 v22, v24  }
0x154: {  	vm4 =	veq.f32 v11, v27;
	v11 =	vmul.f32 $1.442695020e+00, v31;
	(erf) = vpow2.f32 v26  }
0x155: {  	v24 =	vperm.xlane v25, v2;
	v26 =	vsub.f32 $0.0e+00, v22;
	(erf) = vpow2.f32 v28  }
0x156: {  	v27 =	vperm.xlane v30, v0;
	v28 =	vnsel vm4, $0x10, v4;
	(erf) = vpow2.f32 v11  }
0x157: {  	v11 =	vperm.xlane v28, v0;
	v24 =	vmax.f32 v25, v24;
	v25 =	vmul.f32 $1.442695020e+00, v26  }
0x158: {  	vm4 =	vlt.s32 v30, v27;
	v26 =	vperm.xlane v24, v3  }
0x159: {  	v27 =	vsel vm4, v30, v27;
	vm4 =	vlt.s32 v28, v11;
	(erf) = vpow2.f32 v25  }
0x15a: {  	v25 =	vperm.xlane v27, v1;
	v11 =	vsel vm4, v28, v11;
	v24 =	vmax.f32 v24, v26  }
0x15b: {  	v29 =	vperm.xlane v11, v1;
	vm4 =	veq.f32 v10, v24  }
0x15c: {  	vm5 =	vlt.s32 v27, v25;
	v10 =	vnsel vm4, $0x10, v4  }
0x15d: {  	v24 =	vsel vm5, v27, v25;
	vm4 =	vlt.s32 v11, v29;
	v25 =	vperm.xlane v10, v0;
	v27 =	vpop (erf)  }
0x15e: {  	v28 =	vperm.xlane v24, v2;
	v11 =	vsel vm4, v11, v29;
	v16 =	vmul.f32 v27, v16;
	v26 =	vpop (erf)  }
0x15f: {  	vm4 =	vlt.s32 v10, v25;
	v15 =	vmul.f32 v26, v15;
	v26 =	vperm.xlane v11, v2;
	v27 =	vpop (erf)  }
0x160: {  	v10 =	vsel vm4, v10, v25;
	v14 =	vmul.f32 v27, v14;
	v16 =	vadd.f32 $-1.000000000e+00, v16  }
0x161: {  	vm4 =	vlt.s32 v24, v28;
	v25 =	vperm.xlane v10, v1;
	v15 =	vadd.f32 $-1.000000000e+00, v15  }
0x162: {  	v24 =	vsel vm4, v24, v28;
	v14 =	vadd.f32 $-1.000000000e+00, v14;
	v16 =	vadd.f32 v16, v21;
	v21 =	vpop (erf)  }
0x163: {  	vm4 =	vlt.s32 v10, v25;
	v12 =	vadd.f32 v15, v12;
	v13 =	vmul.f32 v21, v13  }
0x164: {  	v10 =	vsel vm4, v10, v25;
	v14 =	vadd.f32 v14, v23;
	v7 =	vsub.f32 v7, v16  }
0x165: {  	v8 =	vsub.f32 v8, v12;
	v12 =	vperm.xlane v10, v2;
	v13 =	vadd.f32 $-1.000000000e+00, v13  }
0x166: {  	v15 =	vperm.xlane v24, v3;
	v6 =	vsub.f32 v6, v14;
	v14 =	vmul.f32 v7, v18  }
0x167: {  	vm4 =	vlt.s32 v11, v26;
	v16 =	vmul.f32 v8, v20;
	v13 =	vadd.f32 v13, v22  }
0x168: {  	v11 =	vsel vm4, v11, v26;
	v18 =	vmul.f32 v6, v19;
	v19 =	vperm.xlane v14, v0  }
0x169: {  	vm4 =	vlt.s32 v24, v15;
	v20 =	vperm.xlane v16, v0;
	v5 =	vsub.f32 v5, v13  }
0x16a: {  	vm5 =	vlt.s32 v10, v12;
	v13 =	vperm.xlane v18, v0;
	v14 =	vadd.f32 v14, v19  }
0x16b: {  	v15 =	vsel vm4, v24, v15;
	v16 =	vadd.f32 v16, v20;
	v17 =	vmul.f32 v5, v17  }
0x16c: {  	v19 =	vperm.xlane v11, v3;
	v13 =	vadd.f32 v18, v13;
	v18 =	vperm.xlane v14, v1  }
0x16d: {  	v10 =	vsel vm5, v10, v12;
	v20 =	vperm.xlane v16, v1;
	v12 =	vperm.xlane v17, v0  }
0x16e: {  	vm4 =	vlt.s32 v11, v19;
	v21 =	vperm.xlane v13, v1;
	v14 =	vadd.f32 v14, v18  }
0x16f: {  	v11 =	vsel vm4, v11, v19;
	v16 =	vadd.f32 v16, v20;
	v12 =	vadd.f32 v17, v12  }
0x170: {  	v8 =	vperm.xlane v8, v15;
	v13 =	vadd.f32 v13, v21;
	v17 =	vperm.xlane v14, v2  }
0x171: {  	v15 =	vnsel vm0, $0x0, v15;
	v18 =	vperm.xlane v16, v2;
	v19 =	vperm.xlane v12, v1  }
0x172: {  	v6 =	vperm.xlane v6, v11;
	v20 =	vperm.xlane v13, v2;
	v14 =	vadd.f32 v14, v17  }
0x173: {  	v8 =	vnsel vm0, $0x0, v8;
	v17 =	vperm.xlane v10, v3;
	v12 =	vadd.f32 v12, v19  }
0x174: {  	v16 =	vadd.f32 v16, v18;
	v13 =	vadd.f32 v13, v20;
	v18 =	vperm.xlane v14, v3  }
0x175: {  	v6 =	vsel vm1, v8, v6;
	vm4 =	vlt.s32 v10, v17;
	v8 =	vperm.xlane v12, v2  }
0x176: {  	v19 =	vperm.xlane v16, v3;
	v20 =	vperm.xlane v13, v3;
	v14 =	vadd.f32 v14, v18  }
0x177: {  	v11 =	vsel vm1, v15, v11;
	v10 =	vsel vm4, v10, v17;
	v8 =	vadd.f32 v12, v8  }
0x178: {  	v7 =	vperm.xlane v7, v10;
	v12 =	vadd.f32 v16, v19;
	v13 =	vadd.f32 v13, v20  }
0x179: {  	v5 =	vperm.xlane v5, v9;
	v10 =	vsel vm2, v11, v10;
	v11 =	vperm.xlane v8, v3  }
0x17a: {  	v6 =	vsel vm2, v6, v7;
	v7 =	vsel vm3, v10, v9;
	v12 =	vsub.f32 $0.0e+00, v12  }
0x17b: {  	v5 =	vsel vm3, v6, v5;
	v9 =	vsub.f32 $0.0e+00, v13;
	v8 =	vadd.f32 v8, v11;
	[tilespmem:$0x400] =	vst v7  }
0x17c: {  	v6 =	vnsel vm0, $0x0, v12;
	v7 =	vsub.f32 $0.0e+00, v14;
	[tilespmem:$0x480] =	vst v5  }
0x17d: {  	v5 =	vsel vm1, v6, v9;
	v6 =	vsub.f32 $0.0e+00, v8  }
0x17e: {  	v5 =	vsel vm2, v5, v7  }
.Ltmp2:
0x17f: {  	v5 =	vsel vm3, v5, v6;
	(pc) =	sbr.rel @p0 .LBB2_2-.Ltmp2, $4  }
0x180: {  	[tilespmem:$0x500] =	vst v5  }
0x181: {  	[hbm4b:s7+s2] =	stream.linear.scatter [tilespmem:s8], [sflag:$0x1], $0x80, $0x38;
	[tilespmem:$0x580] =	vst v63  }
0x182: {  	_ = 	snop  }
0x183: {  	[hbm4b:s9+s2] =	stream.linear.scatter [tilespmem:s10], [sflag:$0x1], $0x80, $0x38;
	[tilespmem:$0x580] =	vst v63  }
.LBB2_3:
0x184: {  	[hbm4b:s11+s2] =	stream.linear.scatter [tilespmem:s12], [sflag:$0x1], $0x80, $0x38;
	[tilespmem:$0x580] =	vst v63  }
0x185: {  	_ =	swait.ge [sflag:s3], $0x80  }
0x186: {  	[sflag:s3] =	ssyncset.done $0x0  }
0x187: {  	[sflag:s3] =	ssyncadd.s32 $0xFFFFFF80  }
0x188: {  	_ =	swait.ge [sflag:s3], $0x80  }
0x189: {  	[sflag:s3] =	ssyncset.done $0x0  }
0x18a: {  	[sflag:s3] =	ssyncadd.s32 $0xFFFFFF80  }
0x18b: {  	_ =	swait.ge [sflag:s3], $0x80  }
0x18c: {  	[sflag:s3] =	ssyncset.done $0x0  }
0x18d: {  	[sflag:s3] =	ssyncadd.s32 $0xFFFFFF80  }
.LBB2_4:
0x18e: {  	_ =	sfence.sel $0x180000  }
0x18f: {  	[bflag:$0x0] =	sbarrier.arrive $0xFFFF  }
0x190: {  	p0 =	sne.s32 s0, $0x0;
	_ =	strace $0x90000047  }
0x191: {  	s0 =	sadd.s32 @!p0 $0x100000, s1;
	[bflag:$0x2] =	sbarrier.arrive $0xFFFF  }
0x192: {  	[sflag:s0] =	ssyncadd.tile.s32 @!p0 $0x1;
	_ =	shalt  }
.Lfunc_end2:
_tile_overlayer_lowered:
.L_overlay_start_2:
0x193: {  	(tag) =	ssettag $0x2  }
0x194: {  	s0 =	rddreg [dreg:$0x0];
	s2 =	stileid.u32  }
0x195: {  	s1 =	rddreg [dreg:$0x1];
	p0 =	sne.s32 s2, $0x0  }
0x196: {  	s3 =	rddreg [dreg:$0x2];
	[bflag:$0x3] =	sbarrier.arrive $0xFFFF;
	s2 =	simm.s32 @!p0 $0x1C02  }
0x197: {  	[timem:s3], [sflag:s2] =	dma.local @!p0 [hbm:s0], s1  }
0x198: {  	s0 =	simm.s32 @!p0 $0x2  }
0x199: {  	_ =	swait.ge @!p0 [sflag:s0], s1  }
0x19a: {  	s1 =	ssub.s32 @!p0 $0x0, s1;
	[sflag:s0] =	ssyncset.done @!p0 $0x0  }
0x19b: {  	[sflag:s0] =	ssyncadd.s32 @!p0 s1  }
0x19c: {  	[bflag:$0x3] =	sbarrier.arrive $0xFFFF  }
0x19d: {  	_ =	shalt  }

</sc_bundles>
